<compile_context>
chip_gen: v7x
topology: tpu7x:2x2x1
jax: 0.10.2.dev20260603
libtpu: 0.0.44.dev20260713+nightly
codegen_flags: <defaults>
</compile_context>

<pallas_src>
import functools

import jax
import jax.numpy as jnp
from jax import lax
from jax.experimental import pallas as pl
from jax.experimental.pallas import tpu as pltpu
from jax.experimental.pallas import tpu_sc as plsc

D = 64
DW = 128
B = 1024
S = 200
SB = 72
L = S + 1
LW = 208

NC = 2
NS = 16
NW = NC * NS
BPW = B // NW
SQRT_D = 8.0


def _pos_embedding():
    num_ts = D // 2
    position = jnp.arange(S, dtype=jnp.float32)[:, None]
    log_inc = jnp.log(jnp.float32(10000.0)) / jnp.maximum(
        jnp.float32(num_ts) - 1.0, 1.0)
    inv_ts = jnp.exp(jnp.arange(num_ts, dtype=jnp.float32) * -log_inc)
    scaled = position * inv_ts[None, :]
    return jnp.concatenate([jnp.sin(scaled), jnp.cos(scaled)], axis=-1)


@functools.partial(
    pl.kernel,
    out_type=jax.ShapeDtypeStruct((B, LW, DW), jnp.float32),
    mesh=plsc.VectorSubcoreMesh(core_axis_name="c", subcore_axis_name="s"),
    scratch_types=[
        pltpu.VMEM((BPW, DW), jnp.int32),
        pltpu.VMEM((BPW, SB), jnp.int32),
        pltpu.VMEM((S, DW), jnp.float32),
        pltpu.VMEM((S, DW), jnp.float32),
        pltpu.VMEM((LW, DW), jnp.float32),
        pltpu.VMEM((S * D,), jnp.float32),
        pltpu.VMEM((DW,), jnp.float32),
        pltpu.SemaphoreType.DMA,
        pltpu.SemaphoreType.DMA,
    ],
    compiler_params=pltpu.CompilerParams(use_tc_tiling_on_sc=True),
)
def _emb_sc(ids_hbm, table_hbm, pos_hbm, cls_hbm, x_hbm,
            idsa_v, idsb_v, raw0, raw1, out_v, pos_v, cls_v, sem0, sem1):
    wid = lax.axis_index("s") * NC + lax.axis_index("c")
    b0 = wid * BPW
    pltpu.sync_copy(pos_hbm, pos_v)
    pltpu.sync_copy(cls_hbm, cls_v)
    pltpu.sync_copy(ids_hbm.at[pl.ds(b0, BPW), pl.ds(0, DW)], idsa_v)
    pltpu.sync_copy(ids_hbm.at[pl.ds(b0, BPW), pl.ds(DW, SB)], idsb_v)
    for c in range(D // 16):
        sl16 = pl.ds(c * 16, 16)
        out_v[S, sl16] = cls_v[sl16]

    def issue(i, raw, sem):
        c0 = pltpu.async_copy(table_hbm.at[idsa_v.at[i]],
                              raw.at[pl.ds(0, DW)], sem)
        c1 = pltpu.async_copy(table_hbm.at[idsb_v.at[i]],
                              raw.at[pl.ds(DW, SB)], sem)
        return c0, c1

    def drain(i, raw, sem):
        pltpu.make_async_copy(table_hbm.at[idsa_v.at[i]],
                              raw.at[pl.ds(0, DW)], sem).wait()
        pltpu.make_async_copy(table_hbm.at[idsb_v.at[i]],
                              raw.at[pl.ds(DW, SB)], sem).wait()

    def epilogue(i, raw):
        @plsc.parallel_loop(0, S, unroll=8)
        def row_body(r):
            for c in range(D // 16):
                sl16 = pl.ds(c * 16, 16)
                out_v[r, sl16] = (
                    raw[r, sl16] * SQRT_D + pos_v[pl.ds(r * D + c * 16, 16)])

        pltpu.sync_copy(out_v, x_hbm.at[b0 + i])

    issue(0, raw0, sem0)

    def pair_body(k, _):
        even = 2 * k
        drain(even, raw0, sem0)
        issue(even + 1, raw1, sem1)
        epilogue(even, raw0)
        drain(even + 1, raw1, sem1)

        @pl.when(k < BPW // 2 - 1)
        def _():
            issue(even + 2, raw0, sem0)

        epilogue(even + 1, raw1)
        return 0

    lax.fori_loop(0, BPW // 2, pair_body, 0)


_MASK_RI = 3


def _mask_body(padT_ref, o_ref):
    p = pl.program_id(0)
    padT = padT_ref[...]
    jio = lax.broadcasted_iota(jnp.int32, (L, B), 0)
    zero = jnp.zeros((L, B), jnp.int32)
    for k in range(_MASK_RI):
        i = p * _MASK_RI + k
        o_ref[k] = jnp.where(jio <= i, padT, zero)


_mask_call = pl.pallas_call(
    _mask_body,
    grid=(L // _MASK_RI,),
    in_specs=[pl.BlockSpec((L, B), lambda i: (0, 0))],
    out_specs=pl.BlockSpec((_MASK_RI, L, B), lambda i: (i, 0, 0)),
    out_shape=jax.ShapeDtypeStruct((L, L, B), jnp.int32),
)


def kernel(token_ids, padding_mask, table, cls_token):
    padT_full = jnp.concatenate(
        [padding_mask.astype(jnp.int32).T, jnp.ones((1, B), jnp.int32)], axis=0)
    maskT = _mask_call(padT_full)
    mask = jnp.transpose(maskT, (2, 0, 1))
    ids = token_ids.astype(jnp.int32)
    table_w = jnp.pad(table, ((0, 0), (0, DW - D)))
    pos = _pos_embedding().reshape(S * D)
    cls128 = jnp.pad(cls_token.reshape(1, D) * SQRT_D,
                     ((0, 0), (0, DW - D))).reshape(DW)
    x_wide = _emb_sc(ids, table_w, pos, cls128)
    x = x_wide[:, :L, :D]
    return x, mask

# --- scband reference (transcript-rebuilt; emitter-appended) ---
"""Pipeline reference for scband-video-prism-embedding-33328946217700 (READ-ONLY COPY).

The authoritative reference and input builder live on the scoring server;
editing this copy changes nothing except your own understanding.
"""

import jax, jax.numpy as jnp
import numpy as np

VOCAB = 1000000
HIDDEN = 64
BATCH = 1024
SEQ = 200


def _sinusoidal(seq_len, hidden_dim, min_ts=1.0, max_ts=10000.0):
    num_ts = hidden_dim // 2
    position = jnp.arange(seq_len, dtype=jnp.float32)[None, :]
    log_inc = jnp.log(jnp.float32(max_ts / min_ts)) / jnp.maximum(jnp.float32(num_ts) - 1.0, 1.0)
    inv_ts = min_ts * jnp.exp(jnp.arange(num_ts, dtype=jnp.float32) * -log_inc)
    scaled_time = position[:, :, None] * inv_ts[None, None, :]
    signal = jnp.concatenate([jnp.sin(scaled_time), jnp.cos(scaled_time)], axis=-1)
    if hidden_dim % 2 == 1:
        signal = jnp.pad(signal, [[0, 0], [0, 0], [0, 1]])
    return signal


def setup_inputs(seed: int = 0):
    key = jax.random.key(seed)
    k1, k2, k3 = jax.random.split(key, 3)
    token_ids = jax.random.randint(k1, (BATCH, SEQ), 0, VOCAB, dtype=jnp.int64) if jax.config.jax_enable_x64 else jax.random.randint(k1, (BATCH, SEQ), 0, VOCAB)
    padding_mask = jnp.ones((BATCH, SEQ), dtype=jnp.int32)
    table = jax.random.normal(k2, (VOCAB, HIDDEN), dtype=jnp.float32) * 0.02
    cls_token = jax.random.normal(k3, (1, 1, HIDDEN), dtype=jnp.float32) * (1.0 / HIDDEN ** 0.5)
    return {"token_ids": token_ids, "padding_mask": padding_mask, "table": table, "cls_token": cls_token}


def reference(token_ids, padding_mask, table, cls_token):
    B, S = token_ids.shape
    D = table.shape[1]
    # token embedding lookup (gather) + sqrt(D) scaling
    x = jnp.take(table, token_ids, axis=0)
    x = x * jnp.sqrt(jnp.float32(D))
    # sinusoidal positional embedding
    pos = _sinusoidal(S, D)
    x = x + pos
    # class token (scaled, tiled) appended at the end of the sequence
    cls = jnp.tile(cls_token * jnp.sqrt(jnp.float32(D)), (B, 1, 1))
    x = jnp.concatenate([x, cls], axis=1)
    # padding mask extended for class token
    class_token_mask = jnp.ones_like(padding_mask[:, :1])
    full_padding_mask = jnp.concatenate([padding_mask, class_token_mask], axis=1)
    # causal mask (keras_hub compute_causal_mask semantics)
    L = S + 1
    i = jnp.arange(L)[:, None]
    j = jnp.arange(L)[None, :]
    causal_mask = jnp.broadcast_to((i >= j).astype(jnp.int32)[None, :, :], (B, L, L))
    # merge padding and attention mask (keras_hub semantics: minimum)
    pad = full_padding_mask[:, None, :].astype(jnp.int32)
    attention_mask = jnp.minimum(pad, causal_mask)
    return x, attention_mask

if __name__ == "__main__":
    import jax
    _d = setup_inputs()
    print(jax.jit(kernel)(*tuple(_d.values())))

</pallas_src>

<mosaic_0001>
#map = affine_map<(d0, d1) -> (0, 0)>
#map1 = affine_map<(d0, d1) -> (0)>
#map2 = affine_map<(d0, d1) -> (0, 0, 0)>
module attributes {stable_mosaic.version = 14 : i64} {
  func.func @_emb_sc(%arg0: i32, %arg1: i32, %arg2: memref<1024x200xi32, #tpu.memory_space<hbm>>, %arg3: memref<1000000x128xf32, #tpu.memory_space<hbm>>, %arg4: memref<12800xf32, #tpu.memory_space<hbm>>, %arg5: memref<128xf32, #tpu.memory_space<hbm>>, %arg6: memref<1024x208x128xf32, #tpu.memory_space<hbm>>, %arg7: memref<32x128xi32, #tpu.memory_space<vmem>>, %arg8: memref<32x72xi32, #tpu.memory_space<vmem>>, %arg9: memref<200x128xf32, #tpu.memory_space<vmem>>, %arg10: memref<200x128xf32, #tpu.memory_space<vmem>>, %arg11: memref<208x128xf32, #tpu.memory_space<vmem>>, %arg12: memref<12800xf32, #tpu.memory_space<vmem>>, %arg13: memref<128xf32, #tpu.memory_space<vmem>>, %arg14: memref<!tpu.dma_semaphore, #tpu.memory_space<semaphore_mem>>, %arg15: memref<!tpu.dma_semaphore, #tpu.memory_space<semaphore_mem>>) attributes {dimension_semantics = [#tpu.dimension_semantics<core_parallel>, #tpu.dimension_semantics<subcore_parallel>], iteration_bounds = array<i64: 2, 16>, scalar_prefetch = 0 : i64, scratch_operands = 9 : i64, tpu.core_type = #tpu.core_type<sc_vector_subcore>, window_params = [{transform_indices = #map}, {transform_indices = #map}, {transform_indices = #map1}, {transform_indices = #map1}, {transform_indices = #map2}]} {
    %mul3A = arith.constant 2 : i32
    %mul3A_0 = arith.muli %arg1, %mul3A : i32
    %add3A = arith.addi %mul3A_0, %arg0 : i32
    %mul3A_1 = arith.constant 32 : i32
    %mul3A_2 = arith.muli %add3A, %mul3A_1 : i32
    "tpu.region"() ({
      %run_scoped3A = tpu.sem_alloc : memref<!tpu.dma_semaphore, #tpu.memory_space<semaphore_mem>>
      tpu.enqueue_dma source(%arg4 : memref<12800xf32, #tpu.memory_space<hbm>>) target(%arg12 : memref<12800xf32, #tpu.memory_space<vmem>>) target_semaphore(%run_scoped3A : memref<!tpu.dma_semaphore, #tpu.memory_space<semaphore_mem>>)
      tpu.wait_dma2 semaphore(%run_scoped3A : memref<!tpu.dma_semaphore, #tpu.memory_space<semaphore_mem>>) src(%arg4 : memref<12800xf32, #tpu.memory_space<hbm>>) dst(%arg12 : memref<12800xf32, #tpu.memory_space<vmem>>)
      tpu.yield
    }) : () -> ()
    "tpu.region"() ({
      %run_scoped3A = tpu.sem_alloc : memref<!tpu.dma_semaphore, #tpu.memory_space<semaphore_mem>>
      tpu.enqueue_dma source(%arg5 : memref<128xf32, #tpu.memory_space<hbm>>) target(%arg13 : memref<128xf32, #tpu.memory_space<vmem>>) target_semaphore(%run_scoped3A : memref<!tpu.dma_semaphore, #tpu.memory_space<semaphore_mem>>)
      tpu.wait_dma2 semaphore(%run_scoped3A : memref<!tpu.dma_semaphore, #tpu.memory_space<semaphore_mem>>) src(%arg5 : memref<128xf32, #tpu.memory_space<hbm>>) dst(%arg13 : memref<128xf32, #tpu.memory_space<vmem>>)
      tpu.yield
    }) : () -> ()
    "tpu.region"() ({
      %run_scoped3A = tpu.sem_alloc : memref<!tpu.dma_semaphore, #tpu.memory_space<semaphore_mem>>
      %dma_start3A_62 = arith.constant 0 : i32
      %dma_start3A_63 = tpu.memref_slice %arg2[%mul3A_2, %dma_start3A_62] : memref<1024x200xi32, #tpu.memory_space<hbm>> -> memref<32x128xi32, #tpu.memory_space<hbm>>
      %dma_start3A_64 = arith.constant 0 : i32
      %dma_start3A_65 = tpu.memref_slice %arg2[%mul3A_2, %dma_start3A_64] : memref<1024x200xi32, #tpu.memory_space<hbm>> -> memref<32x128xi32, #tpu.memory_space<hbm>>
      tpu.enqueue_dma source(%dma_start3A_65 : memref<32x128xi32, #tpu.memory_space<hbm>>) target(%arg7 : memref<32x128xi32, #tpu.memory_space<vmem>>) target_semaphore(%run_scoped3A : memref<!tpu.dma_semaphore, #tpu.memory_space<semaphore_mem>>)
      %dma_wait3A = arith.constant 0 : i32
      %dma_wait3A_66 = tpu.memref_slice %arg2[%mul3A_2, %dma_wait3A] : memref<1024x200xi32, #tpu.memory_space<hbm>> -> memref<32x128xi32, #tpu.memory_space<hbm>>
      %dma_wait3A_67 = arith.constant 0 : i32
      %dma_wait3A_68 = tpu.memref_slice %arg2[%mul3A_2, %dma_wait3A_67] : memref<1024x200xi32, #tpu.memory_space<hbm>> -> memref<32x128xi32, #tpu.memory_space<hbm>>
      tpu.wait_dma2 semaphore(%run_scoped3A : memref<!tpu.dma_semaphore, #tpu.memory_space<semaphore_mem>>) src(%dma_wait3A_68 : memref<32x128xi32, #tpu.memory_space<hbm>>) dst(%arg7 : memref<32x128xi32, #tpu.memory_space<vmem>>)
      tpu.yield
    }) : () -> ()
    "tpu.region"() ({
      %run_scoped3A = tpu.sem_alloc : memref<!tpu.dma_semaphore, #tpu.memory_space<semaphore_mem>>
      %dma_start3A_62 = arith.constant 128 : i32
      %dma_start3A_63 = tpu.memref_slice %arg2[%mul3A_2, %dma_start3A_62] : memref<1024x200xi32, #tpu.memory_space<hbm>> -> memref<32x72xi32, #tpu.memory_space<hbm>>
      %dma_start3A_64 = arith.constant 128 : i32
      %dma_start3A_65 = tpu.memref_slice %arg2[%mul3A_2, %dma_start3A_64] : memref<1024x200xi32, #tpu.memory_space<hbm>> -> memref<32x72xi32, #tpu.memory_space<hbm>>
      tpu.enqueue_dma source(%dma_start3A_65 : memref<32x72xi32, #tpu.memory_space<hbm>>) target(%arg8 : memref<32x72xi32, #tpu.memory_space<vmem>>) target_semaphore(%run_scoped3A : memref<!tpu.dma_semaphore, #tpu.memory_space<semaphore_mem>>)
      %dma_wait3A = arith.constant 128 : i32
      %dma_wait3A_66 = tpu.memref_slice %arg2[%mul3A_2, %dma_wait3A] : memref<1024x200xi32, #tpu.memory_space<hbm>> -> memref<32x72xi32, #tpu.memory_space<hbm>>
      %dma_wait3A_67 = arith.constant 128 : i32
      %dma_wait3A_68 = tpu.memref_slice %arg2[%mul3A_2, %dma_wait3A_67] : memref<1024x200xi32, #tpu.memory_space<hbm>> -> memref<32x72xi32, #tpu.memory_space<hbm>>
      tpu.wait_dma2 semaphore(%run_scoped3A : memref<!tpu.dma_semaphore, #tpu.memory_space<semaphore_mem>>) src(%dma_wait3A_68 : memref<32x72xi32, #tpu.memory_space<hbm>>) dst(%arg8 : memref<32x72xi32, #tpu.memory_space<vmem>>)
      tpu.yield
    }) : () -> ()
    %get3A = arith.constant 0 : index
    %get3A_3 = tpu.vector_load %arg13[%get3A] {strides = array<i32>} : memref<128xf32, #tpu.memory_space<vmem>>, vector<16xf32>,
    %get3A_4 = vector.shape_cast %get3A_3 : vector<16xf32> to vector<16xf32>
    %swap3A = arith.constant 200 : i32
    %swap3A_5 = arith.index_cast %swap3A : i32 to index
    %swap3A_6 = arith.constant 0 : index
    %swap3A_7 = tpu.vector_load %arg11[%swap3A_5, %swap3A_6] {strides = array<i32>} : memref<208x128xf32, #tpu.memory_space<vmem>>, vector<1x16xf32>,
    %swap3A_8 = vector.shape_cast %swap3A_7 : vector<1x16xf32> to vector<16xf32>
    %swap3A_9 = vector.shape_cast %get3A_4 : vector<16xf32> to vector<1x16xf32>
    tpu.vector_store %arg11[%swap3A_5, %swap3A_6], %swap3A_9 {strides = array<i32>} : memref<208x128xf32, #tpu.memory_space<vmem>>, vector<1x16xf32>,
    %get3A_10 = arith.constant 16 : index
    %get3A_11 = tpu.vector_load %arg13[%get3A_10] {strides = array<i32>} : memref<128xf32, #tpu.memory_space<vmem>>, vector<16xf32>,
    %get3A_12 = vector.shape_cast %get3A_11 : vector<16xf32> to vector<16xf32>
    %swap3A_13 = arith.constant 200 : i32
    %swap3A_14 = arith.index_cast %swap3A_13 : i32 to index
    %swap3A_15 = arith.constant 16 : index
    %swap3A_16 = tpu.vector_load %arg11[%swap3A_14, %swap3A_15] {strides = array<i32>} : memref<208x128xf32, #tpu.memory_space<vmem>>, vector<1x16xf32>,
    %swap3A_17 = vector.shape_cast %swap3A_16 : vector<1x16xf32> to vector<16xf32>
    %swap3A_18 = vector.shape_cast %get3A_12 : vector<16xf32> to vector<1x16xf32>
    tpu.vector_store %arg11[%swap3A_14, %swap3A_15], %swap3A_18 {strides = array<i32>} : memref<208x128xf32, #tpu.memory_space<vmem>>, vector<1x16xf32>,
    %get3A_19 = arith.constant 32 : index
    %get3A_20 = tpu.vector_load %arg13[%get3A_19] {strides = array<i32>} : memref<128xf32, #tpu.memory_space<vmem>>, vector<16xf32>,
    %get3A_21 = vector.shape_cast %get3A_20 : vector<16xf32> to vector<16xf32>
    %swap3A_22 = arith.constant 200 : i32
    %swap3A_23 = arith.index_cast %swap3A_22 : i32 to index
    %swap3A_24 = arith.constant 32 : index
    %swap3A_25 = tpu.vector_load %arg11[%swap3A_23, %swap3A_24] {strides = array<i32>} : memref<208x128xf32, #tpu.memory_space<vmem>>, vector<1x16xf32>,
    %swap3A_26 = vector.shape_cast %swap3A_25 : vector<1x16xf32> to vector<16xf32>
    %swap3A_27 = vector.shape_cast %get3A_21 : vector<16xf32> to vector<1x16xf32>
    tpu.vector_store %arg11[%swap3A_23, %swap3A_24], %swap3A_27 {strides = array<i32>} : memref<208x128xf32, #tpu.memory_space<vmem>>, vector<1x16xf32>,
    %get3A_28 = arith.constant 48 : index
    %get3A_29 = tpu.vector_load %arg13[%get3A_28] {strides = array<i32>} : memref<128xf32, #tpu.memory_space<vmem>>, vector<16xf32>,
    %get3A_30 = vector.shape_cast %get3A_29 : vector<16xf32> to vector<16xf32>
    %swap3A_31 = arith.constant 200 : i32
    %swap3A_32 = arith.index_cast %swap3A_31 : i32 to index
    %swap3A_33 = arith.constant 48 : index
    %swap3A_34 = tpu.vector_load %arg11[%swap3A_32, %swap3A_33] {strides = array<i32>} : memref<208x128xf32, #tpu.memory_space<vmem>>, vector<1x16xf32>,
    %swap3A_35 = vector.shape_cast %swap3A_34 : vector<1x16xf32> to vector<16xf32>
    %swap3A_36 = vector.shape_cast %get3A_30 : vector<16xf32> to vector<1x16xf32>
    tpu.vector_store %arg11[%swap3A_32, %swap3A_33], %swap3A_36 {strides = array<i32>} : memref<208x128xf32, #tpu.memory_space<vmem>>, vector<1x16xf32>,
    %dma_start3A = arith.constant 0 : i32
    %dma_start3A_37 = arith.constant 0 : i32
    %dma_start3A_38 = arith.constant 0 : i32
    %dma_start3A_39 = tpu.memref_slice %arg9[%dma_start3A_37, %dma_start3A_38] : memref<200x128xf32, #tpu.memory_space<vmem>> -> memref<128x128xf32, #tpu.memory_space<vmem>>
    %dma_start3A_40 = arith.constant 0 : i32
    %dma_start3A_41 = tpu.memref_slice %arg7[%dma_start3A, %dma_start3A_40] : memref<32x128xi32, #tpu.memory_space<vmem>> -> memref<1x128xi32, #tpu.memory_space<vmem>>
    %dma_start3A_42 = tpu.memref_squeeze %dma_start3A_41 : memref<1x128xi32, #tpu.memory_space<vmem>> -> memref<128xi32, #tpu.memory_space<vmem>>
    %dma_start3A_43 = arith.constant 0 : i32
    %dma_start3A_44 = arith.constant 0 : i32
    %dma_start3A_45 = tpu.memref_slice %arg3[%dma_start3A_43, %dma_start3A_44] : memref<1000000x128xf32, #tpu.memory_space<hbm>> -> memref<1000000x128xf32, #tpu.memory_space<hbm>>
    tpu.enqueue_indirect_dma source(%dma_start3A_45 : memref<1000000x128xf32, #tpu.memory_space<hbm>>) target(%dma_start3A_39 : memref<128x128xf32, #tpu.memory_space<vmem>>) offsets(%dma_start3A_42 : memref<128xi32, #tpu.memory_space<vmem>>) semaphore(%arg14 : memref<!tpu.dma_semaphore, #tpu.memory_space<semaphore_mem>>)
    %dma_start3A_46 = arith.constant 0 : i32
    %dma_start3A_47 = arith.constant 128 : i32
    %dma_start3A_48 = arith.constant 0 : i32
    %dma_start3A_49 = tpu.memref_slice %arg9[%dma_start3A_47, %dma_start3A_48] : memref<200x128xf32, #tpu.memory_space<vmem>> -> memref<72x128xf32, #tpu.memory_space<vmem>>
    %dma_start3A_50 = arith.constant 0 : i32
    %dma_start3A_51 = tpu.memref_slice %arg8[%dma_start3A_46, %dma_start3A_50] : memref<32x72xi32, #tpu.memory_space<vmem>> -> memref<1x72xi32, #tpu.memory_space<vmem>>
    %dma_start3A_52 = tpu.memref_squeeze %dma_start3A_51 : memref<1x72xi32, #tpu.memory_space<vmem>> -> memref<72xi32, #tpu.memory_space<vmem>>
    %dma_start3A_53 = arith.constant 0 : i32
    %dma_start3A_54 = arith.constant 0 : i32
    %dma_start3A_55 = tpu.memref_slice %arg3[%dma_start3A_53, %dma_start3A_54] : memref<1000000x128xf32, #tpu.memory_space<hbm>> -> memref<1000000x128xf32, #tpu.memory_space<hbm>>
    tpu.enqueue_indirect_dma source(%dma_start3A_55 : memref<1000000x128xf32, #tpu.memory_space<hbm>>) target(%dma_start3A_49 : memref<72x128xf32, #tpu.memory_space<vmem>>) offsets(%dma_start3A_52 : memref<72xi32, #tpu.memory_space<vmem>>) semaphore(%arg14 : memref<!tpu.dma_semaphore, #tpu.memory_space<semaphore_mem>>)
    %scan3A = arith.constant 0 : i32
    %scan3A_56 = arith.constant 0 : i32
    %scan3A_57 = arith.constant 16 : i32
    %scan3A_58 = arith.addi %scan3A_56, %scan3A_57 : i32
    %scan3A_59 = arith.constant 1 : i32
    %scan3A_60 = scf.for %scan3A_62 = %scan3A_56 to %scan3A_58 step %scan3A_59 iter_args(%scan3A_63 = %scan3A) -> (i32)  : i32 {
      %mul3A_64 = arith.constant 2 : i32
      %mul3A_65 = arith.muli %mul3A_64, %scan3A_62 : i32
      %dma_wait3A = arith.constant 0 : i32
      %dma_wait3A_66 = arith.constant 0 : i32
      %dma_wait3A_67 = tpu.memref_slice %arg9[%dma_wait3A, %dma_wait3A_66] : memref<200x128xf32, #tpu.memory_space<vmem>> -> memref<128x128xf32, #tpu.memory_space<vmem>>
      %dma_wait3A_68 = arith.constant 0 : i32
      %dma_wait3A_69 = tpu.memref_slice %arg7[%mul3A_65, %dma_wait3A_68] : memref<32x128xi32, #tpu.memory_space<vmem>> -> memref<1x128xi32, #tpu.memory_space<vmem>>
      %dma_wait3A_70 = tpu.memref_squeeze %dma_wait3A_69 : memref<1x128xi32, #tpu.memory_space<vmem>> -> memref<128xi32, #tpu.memory_space<vmem>>
      %dma_wait3A_71 = arith.constant 0 : i32
      %dma_wait3A_72 = arith.constant 0 : i32
      %dma_wait3A_73 = tpu.memref_slice %arg3[%dma_wait3A_71, %dma_wait3A_72] : memref<1000000x128xf32, #tpu.memory_space<hbm>> -> memref<1000000x128xf32, #tpu.memory_space<hbm>>
      tpu.wait_indirect_dma semaphore(%arg14 : memref<!tpu.dma_semaphore, #tpu.memory_space<semaphore_mem>>) src(%dma_wait3A_73 : memref<1000000x128xf32, #tpu.memory_space<hbm>>) dst(%dma_wait3A_67 : memref<128x128xf32, #tpu.memory_space<vmem>>)
      %dma_wait3A_74 = arith.constant 128 : i32
      %dma_wait3A_75 = arith.constant 0 : i32
      %dma_wait3A_76 = tpu.memref_slice %arg9[%dma_wait3A_74, %dma_wait3A_75] : memref<200x128xf32, #tpu.memory_space<vmem>> -> memref<72x128xf32, #tpu.memory_space<vmem>>
      %dma_wait3A_77 = arith.constant 0 : i32
      %dma_wait3A_78 = tpu.memref_slice %arg8[%mul3A_65, %dma_wait3A_77] : memref<32x72xi32, #tpu.memory_space<vmem>> -> memref<1x72xi32, #tpu.memory_space<vmem>>
      %dma_wait3A_79 = tpu.memref_squeeze %dma_wait3A_78 : memref<1x72xi32, #tpu.memory_space<vmem>> -> memref<72xi32, #tpu.memory_space<vmem>>
      %dma_wait3A_80 = arith.constant 0 : i32
      %dma_wait3A_81 = arith.constant 0 : i32
      %dma_wait3A_82 = tpu.memref_slice %arg3[%dma_wait3A_80, %dma_wait3A_81] : memref<1000000x128xf32, #tpu.memory_space<hbm>> -> memref<1000000x128xf32, #tpu.memory_space<hbm>>
      tpu.wait_indirect_dma semaphore(%arg14 : memref<!tpu.dma_semaphore, #tpu.memory_space<semaphore_mem>>) src(%dma_wait3A_82 : memref<1000000x128xf32, #tpu.memory_space<hbm>>) dst(%dma_wait3A_76 : memref<72x128xf32, #tpu.memory_space<vmem>>)
      %add3A_83 = arith.constant 1 : i32
      %add3A_84 = arith.addi %mul3A_65, %add3A_83 : i32
      %dma_start3A_85 = arith.constant 0 : i32
      %dma_start3A_86 = arith.constant 0 : i32
      %dma_start3A_87 = tpu.memref_slice %arg10[%dma_start3A_85, %dma_start3A_86] : memref<200x128xf32, #tpu.memory_space<vmem>> -> memref<128x128xf32, #tpu.memory_space<vmem>>
      %dma_start3A_88 = arith.constant 0 : i32
      %dma_start3A_89 = tpu.memref_slice %arg7[%add3A_84, %dma_start3A_88] : memref<32x128xi32, #tpu.memory_space<vmem>> -> memref<1x128xi32, #tpu.memory_space<vmem>>
      %dma_start3A_90 = tpu.memref_squeeze %dma_start3A_89 : memref<1x128xi32, #tpu.memory_space<vmem>> -> memref<128xi32, #tpu.memory_space<vmem>>
      %dma_start3A_91 = arith.constant 0 : i32
      %dma_start3A_92 = arith.constant 0 : i32
      %dma_start3A_93 = tpu.memref_slice %arg3[%dma_start3A_91, %dma_start3A_92] : memref<1000000x128xf32, #tpu.memory_space<hbm>> -> memref<1000000x128xf32, #tpu.memory_space<hbm>>
      tpu.enqueue_indirect_dma source(%dma_start3A_93 : memref<1000000x128xf32, #tpu.memory_space<hbm>>) target(%dma_start3A_87 : memref<128x128xf32, #tpu.memory_space<vmem>>) offsets(%dma_start3A_90 : memref<128xi32, #tpu.memory_space<vmem>>) semaphore(%arg15 : memref<!tpu.dma_semaphore, #tpu.memory_space<semaphore_mem>>)
      %dma_start3A_94 = arith.constant 128 : i32
      %dma_start3A_95 = arith.constant 0 : i32
      %dma_start3A_96 = tpu.memref_slice %arg10[%dma_start3A_94, %dma_start3A_95] : memref<200x128xf32, #tpu.memory_space<vmem>> -> memref<72x128xf32, #tpu.memory_space<vmem>>
      %dma_start3A_97 = arith.constant 0 : i32
      %dma_start3A_98 = tpu.memref_slice %arg8[%add3A_84, %dma_start3A_97] : memref<32x72xi32, #tpu.memory_space<vmem>> -> memref<1x72xi32, #tpu.memory_space<vmem>>
      %dma_start3A_99 = tpu.memref_squeeze %dma_start3A_98 : memref<1x72xi32, #tpu.memory_space<vmem>> -> memref<72xi32, #tpu.memory_space<vmem>>
      %dma_start3A_100 = arith.constant 0 : i32
      %dma_start3A_101 = arith.constant 0 : i32
      %dma_start3A_102 = tpu.memref_slice %arg3[%dma_start3A_100, %dma_start3A_101] : memref<1000000x128xf32, #tpu.memory_space<hbm>> -> memref<1000000x128xf32, #tpu.memory_space<hbm>>
      tpu.enqueue_indirect_dma source(%dma_start3A_102 : memref<1000000x128xf32, #tpu.memory_space<hbm>>) target(%dma_start3A_96 : memref<72x128xf32, #tpu.memory_space<vmem>>) offsets(%dma_start3A_99 : memref<72xi32, #tpu.memory_space<vmem>>) semaphore(%arg15 : memref<!tpu.dma_semaphore, #tpu.memory_space<semaphore_mem>>)
      %parallel_loop3A = arith.constant 0 : i32
      %parallel_loop3A_103 = arith.constant 200 : i32
      %parallel_loop3A_104 = arith.constant 1 : i32
      scf.for %parallel_loop3A_135 = %parallel_loop3A to %parallel_loop3A_103 step %parallel_loop3A_104  : i32 {
        %parallel_loop3A_136 = arith.index_cast %parallel_loop3A_135 : i32 to index
        %parallel_loop3A_137 = arith.constant 0 : index
        %parallel_loop3A_138 = tpu.vector_load %arg9[%parallel_loop3A_136, %parallel_loop3A_137] {strides = array<i32>} : memref<200x128xf32, #tpu.memory_space<vmem>>, vector<1x16xf32>,
        %parallel_loop3A_139 = vector.shape_cast %parallel_loop3A_138 : vector<1x16xf32> to vector<16xf32>
        %parallel_loop3A_140 = arith.constant 8.000000e+00 : f32
        %parallel_loop3A_141 = vector.broadcast %parallel_loop3A_140 : f32 to vector<16xf32>
        %parallel_loop3A_142 = arith.mulf %parallel_loop3A_139, %parallel_loop3A_141 : vector<16xf32>
        %parallel_loop3A_143 = arith.constant 64 : i32
        %parallel_loop3A_144 = arith.muli %parallel_loop3A_135, %parallel_loop3A_143 : i32
        %parallel_loop3A_145 = arith.constant 0 : i32
        %parallel_loop3A_146 = arith.addi %parallel_loop3A_144, %parallel_loop3A_145 : i32
        %parallel_loop3A_147 = arith.index_cast %parallel_loop3A_146 : i32 to index
        %parallel_loop3A_148 = tpu.vector_load %arg12[%parallel_loop3A_147] {strides = array<i32>} : memref<12800xf32, #tpu.memory_space<vmem>>, vector<16xf32>,
        %parallel_loop3A_149 = vector.shape_cast %parallel_loop3A_148 : vector<16xf32> to vector<16xf32>
        %parallel_loop3A_150 = arith.addf %parallel_loop3A_142, %parallel_loop3A_149 : vector<16xf32>
        %parallel_loop3A_151 = arith.index_cast %parallel_loop3A_135 : i32 to index
        %parallel_loop3A_152 = arith.constant 0 : index
        %parallel_loop3A_153 = tpu.vector_load %arg11[%parallel_loop3A_151, %parallel_loop3A_152] {strides = array<i32>} : memref<208x128xf32, #tpu.memory_space<vmem>>, vector<1x16xf32>,
        %parallel_loop3A_154 = vector.shape_cast %parallel_loop3A_153 : vector<1x16xf32> to vector<16xf32>
        %parallel_loop3A_155 = vector.shape_cast %parallel_loop3A_150 : vector<16xf32> to vector<1x16xf32>
        tpu.vector_store %arg11[%parallel_loop3A_151, %parallel_loop3A_152], %parallel_loop3A_155 {strides = array<i32>} : memref<208x128xf32, #tpu.memory_space<vmem>>, vector<1x16xf32>,
        %parallel_loop3A_156 = arith.index_cast %parallel_loop3A_135 : i32 to index
        %parallel_loop3A_157 = arith.constant 16 : index
        %parallel_loop3A_158 = tpu.vector_load %arg9[%parallel_loop3A_156, %parallel_loop3A_157] {strides = array<i32>} : memref<200x128xf32, #tpu.memory_space<vmem>>, vector<1x16xf32>,
        %parallel_loop3A_159 = vector.shape_cast %parallel_loop3A_158 : vector<1x16xf32> to vector<16xf32>
        %parallel_loop3A_160 = arith.constant 8.000000e+00 : f32
        %parallel_loop3A_161 = vector.broadcast %parallel_loop3A_160 : f32 to vector<16xf32>
        %parallel_loop3A_162 = arith.mulf %parallel_loop3A_159, %parallel_loop3A_161 : vector<16xf32>
        %parallel_loop3A_163 = arith.constant 64 : i32
        %parallel_loop3A_164 = arith.muli %parallel_loop3A_135, %parallel_loop3A_163 : i32
        %parallel_loop3A_165 = arith.constant 16 : i32
        %parallel_loop3A_166 = arith.addi %parallel_loop3A_164, %parallel_loop3A_165 : i32
        %parallel_loop3A_167 = arith.index_cast %parallel_loop3A_166 : i32 to index
        %parallel_loop3A_168 = tpu.vector_load %arg12[%parallel_loop3A_167] {strides = array<i32>} : memref<12800xf32, #tpu.memory_space<vmem>>, vector<16xf32>,
        %parallel_loop3A_169 = vector.shape_cast %parallel_loop3A_168 : vector<16xf32> to vector<16xf32>
        %parallel_loop3A_170 = arith.addf %parallel_loop3A_162, %parallel_loop3A_169 : vector<16xf32>
        %parallel_loop3A_171 = arith.index_cast %parallel_loop3A_135 : i32 to index
        %parallel_loop3A_172 = arith.constant 16 : index
        %parallel_loop3A_173 = tpu.vector_load %arg11[%parallel_loop3A_171, %parallel_loop3A_172] {strides = array<i32>} : memref<208x128xf32, #tpu.memory_space<vmem>>, vector<1x16xf32>,
        %parallel_loop3A_174 = vector.shape_cast %parallel_loop3A_173 : vector<1x16xf32> to vector<16xf32>
        %parallel_loop3A_175 = vector.shape_cast %parallel_loop3A_170 : vector<16xf32> to vector<1x16xf32>
        tpu.vector_store %arg11[%parallel_loop3A_171, %parallel_loop3A_172], %parallel_loop3A_175 {strides = array<i32>} : memref<208x128xf32, #tpu.memory_space<vmem>>, vector<1x16xf32>,
        %parallel_loop3A_176 = arith.index_cast %parallel_loop3A_135 : i32 to index
        %parallel_loop3A_177 = arith.constant 32 : index
        %parallel_loop3A_178 = tpu.vector_load %arg9[%parallel_loop3A_176, %parallel_loop3A_177] {strides = array<i32>} : memref<200x128xf32, #tpu.memory_space<vmem>>, vector<1x16xf32>,
        %parallel_loop3A_179 = vector.shape_cast %parallel_loop3A_178 : vector<1x16xf32> to vector<16xf32>
        %parallel_loop3A_180 = arith.constant 8.000000e+00 : f32
        %parallel_loop3A_181 = vector.broadcast %parallel_loop3A_180 : f32 to vector<16xf32>
        %parallel_loop3A_182 = arith.mulf %parallel_loop3A_179, %parallel_loop3A_181 : vector<16xf32>
        %parallel_loop3A_183 = arith.constant 64 : i32
        %parallel_loop3A_184 = arith.muli %parallel_loop3A_135, %parallel_loop3A_183 : i32
        %parallel_loop3A_185 = arith.constant 32 : i32
        %parallel_loop3A_186 = arith.addi %parallel_loop3A_184, %parallel_loop3A_185 : i32
        %parallel_loop3A_187 = arith.index_cast %parallel_loop3A_186 : i32 to index
        %parallel_loop3A_188 = tpu.vector_load %arg12[%parallel_loop3A_187] {strides = array<i32>} : memref<12800xf32, #tpu.memory_space<vmem>>, vector<16xf32>,
        %parallel_loop3A_189 = vector.shape_cast %parallel_loop3A_188 : vector<16xf32> to vector<16xf32>
        %parallel_loop3A_190 = arith.addf %parallel_loop3A_182, %parallel_loop3A_189 : vector<16xf32>
        %parallel_loop3A_191 = arith.index_cast %parallel_loop3A_135 : i32 to index
        %parallel_loop3A_192 = arith.constant 32 : index
        %parallel_loop3A_193 = tpu.vector_load %arg11[%parallel_loop3A_191, %parallel_loop3A_192] {strides = array<i32>} : memref<208x128xf32, #tpu.memory_space<vmem>>, vector<1x16xf32>,
        %parallel_loop3A_194 = vector.shape_cast %parallel_loop3A_193 : vector<1x16xf32> to vector<16xf32>
        %parallel_loop3A_195 = vector.shape_cast %parallel_loop3A_190 : vector<16xf32> to vector<1x16xf32>
        tpu.vector_store %arg11[%parallel_loop3A_191, %parallel_loop3A_192], %parallel_loop3A_195 {strides = array<i32>} : memref<208x128xf32, #tpu.memory_space<vmem>>, vector<1x16xf32>,
        %parallel_loop3A_196 = arith.index_cast %parallel_loop3A_135 : i32 to index
        %parallel_loop3A_197 = arith.constant 48 : index
        %parallel_loop3A_198 = tpu.vector_load %arg9[%parallel_loop3A_196, %parallel_loop3A_197] {strides = array<i32>} : memref<200x128xf32, #tpu.memory_space<vmem>>, vector<1x16xf32>,
        %parallel_loop3A_199 = vector.shape_cast %parallel_loop3A_198 : vector<1x16xf32> to vector<16xf32>
        %parallel_loop3A_200 = arith.constant 8.000000e+00 : f32
        %parallel_loop3A_201 = vector.broadcast %parallel_loop3A_200 : f32 to vector<16xf32>
        %parallel_loop3A_202 = arith.mulf %parallel_loop3A_199, %parallel_loop3A_201 : vector<16xf32>
        %parallel_loop3A_203 = arith.constant 64 : i32
        %parallel_loop3A_204 = arith.muli %parallel_loop3A_135, %parallel_loop3A_203 : i32
        %parallel_loop3A_205 = arith.constant 48 : i32
        %parallel_loop3A_206 = arith.addi %parallel_loop3A_204, %parallel_loop3A_205 : i32
        %parallel_loop3A_207 = arith.index_cast %parallel_loop3A_206 : i32 to index
        %parallel_loop3A_208 = tpu.vector_load %arg12[%parallel_loop3A_207] {strides = array<i32>} : memref<12800xf32, #tpu.memory_space<vmem>>, vector<16xf32>,
        %parallel_loop3A_209 = vector.shape_cast %parallel_loop3A_208 : vector<16xf32> to vector<16xf32>
        %parallel_loop3A_210 = arith.addf %parallel_loop3A_202, %parallel_loop3A_209 : vector<16xf32>
        %parallel_loop3A_211 = arith.index_cast %parallel_loop3A_135 : i32 to index
        %parallel_loop3A_212 = arith.constant 48 : index
        %parallel_loop3A_213 = tpu.vector_load %arg11[%parallel_loop3A_211, %parallel_loop3A_212] {strides = array<i32>} : memref<208x128xf32, #tpu.memory_space<vmem>>, vector<1x16xf32>,
        %parallel_loop3A_214 = vector.shape_cast %parallel_loop3A_213 : vector<1x16xf32> to vector<16xf32>
        %parallel_loop3A_215 = vector.shape_cast %parallel_loop3A_210 : vector<16xf32> to vector<1x16xf32>
        tpu.vector_store %arg11[%parallel_loop3A_211, %parallel_loop3A_212], %parallel_loop3A_215 {strides = array<i32>} : memref<208x128xf32, #tpu.memory_space<vmem>>, vector<1x16xf32>,
      } {sc.loop_unroll_factor = 8 : i64, sc.parallel_access}
      %add3A_105 = arith.addi %mul3A_2, %mul3A_65 : i32
      "tpu.region"() ({
        %run_scoped3A = tpu.sem_alloc : memref<!tpu.dma_semaphore, #tpu.memory_space<semaphore_mem>>
        %dma_start3A_135 = arith.constant 0 : i32
        %dma_start3A_136 = arith.constant 0 : i32
        %dma_start3A_137 = tpu.memref_slice %arg6[%add3A_105, %dma_start3A_135, %dma_start3A_136] : memref<1024x208x128xf32, #tpu.memory_space<hbm>> -> memref<1x208x128xf32, #tpu.memory_space<hbm>>
        %dma_start3A_138 = tpu.memref_squeeze %dma_start3A_137 : memref<1x208x128xf32, #tpu.memory_space<hbm>> -> memref<208x128xf32, #tpu.memory_space<hbm>>
        %dma_start3A_139 = arith.constant 0 : i32
        %dma_start3A_140 = arith.constant 0 : i32
        %dma_start3A_141 = tpu.memref_slice %arg6[%add3A_105, %dma_start3A_139, %dma_start3A_140] : memref<1024x208x128xf32, #tpu.memory_space<hbm>> -> memref<1x208x128xf32, #tpu.memory_space<hbm>>
        %dma_start3A_142 = tpu.memref_squeeze %dma_start3A_141 : memref<1x208x128xf32, #tpu.memory_space<hbm>> -> memref<208x128xf32, #tpu.memory_space<hbm>>
        tpu.enqueue_dma source(%arg11 : memref<208x128xf32, #tpu.memory_space<vmem>>) target(%dma_start3A_142 : memref<208x128xf32, #tpu.memory_space<hbm>>) target_semaphore(%run_scoped3A : memref<!tpu.dma_semaphore, #tpu.memory_space<semaphore_mem>>)
        %dma_wait3A_143 = arith.constant 0 : i32
        %dma_wait3A_144 = arith.constant 0 : i32
        %dma_wait3A_145 = tpu.memref_slice %arg6[%add3A_105, %dma_wait3A_143, %dma_wait3A_144] : memref<1024x208x128xf32, #tpu.memory_space<hbm>> -> memref<1x208x128xf32, #tpu.memory_space<hbm>>
        %dma_wait3A_146 = tpu.memref_squeeze %dma_wait3A_145 : memref<1x208x128xf32, #tpu.memory_space<hbm>> -> memref<208x128xf32, #tpu.memory_space<hbm>>
        %dma_wait3A_147 = arith.constant 0 : i32
        %dma_wait3A_148 = arith.constant 0 : i32
        %dma_wait3A_149 = tpu.memref_slice %arg6[%add3A_105, %dma_wait3A_147, %dma_wait3A_148] : memref<1024x208x128xf32, #tpu.memory_space<hbm>> -> memref<1x208x128xf32, #tpu.memory_space<hbm>>
        %dma_wait3A_150 = tpu.memref_squeeze %dma_wait3A_149 : memref<1x208x128xf32, #tpu.memory_space<hbm>> -> memref<208x128xf32, #tpu.memory_space<hbm>>
        tpu.wait_dma2 semaphore(%run_scoped3A : memref<!tpu.dma_semaphore, #tpu.memory_space<semaphore_mem>>) src(%arg11 : memref<208x128xf32, #tpu.memory_space<vmem>>) dst(%dma_wait3A_150 : memref<208x128xf32, #tpu.memory_space<hbm>>)
        tpu.yield
      }) : () -> ()
      %add3A_106 = arith.constant 1 : i32
      %add3A_107 = arith.addi %mul3A_65, %add3A_106 : i32
      %dma_wait3A_108 = arith.constant 0 : i32
      %dma_wait3A_109 = arith.constant 0 : i32
      %dma_wait3A_110 = tpu.memref_slice %arg10[%dma_wait3A_108, %dma_wait3A_109] : memref<200x128xf32, #tpu.memory_space<vmem>> -> memref<128x128xf32, #tpu.memory_space<vmem>>
      %dma_wait3A_111 = arith.constant 0 : i32
      %dma_wait3A_112 = tpu.memref_slice %arg7[%add3A_107, %dma_wait3A_111] : memref<32x128xi32, #tpu.memory_space<vmem>> -> memref<1x128xi32, #tpu.memory_space<vmem>>
      %dma_wait3A_113 = tpu.memref_squeeze %dma_wait3A_112 : memref<1x128xi32, #tpu.memory_space<vmem>> -> memref<128xi32, #tpu.memory_space<vmem>>
      %dma_wait3A_114 = arith.constant 0 : i32
      %dma_wait3A_115 = arith.constant 0 : i32
      %dma_wait3A_116 = tpu.memref_slice %arg3[%dma_wait3A_114, %dma_wait3A_115] : memref<1000000x128xf32, #tpu.memory_space<hbm>> -> memref<1000000x128xf32, #tpu.memory_space<hbm>>
      tpu.wait_indirect_dma semaphore(%arg15 : memref<!tpu.dma_semaphore, #tpu.memory_space<semaphore_mem>>) src(%dma_wait3A_116 : memref<1000000x128xf32, #tpu.memory_space<hbm>>) dst(%dma_wait3A_110 : memref<128x128xf32, #tpu.memory_space<vmem>>)
      %dma_wait3A_117 = arith.constant 128 : i32
      %dma_wait3A_118 = arith.constant 0 : i32
      %dma_wait3A_119 = tpu.memref_slice %arg10[%dma_wait3A_117, %dma_wait3A_118] : memref<200x128xf32, #tpu.memory_space<vmem>> -> memref<72x128xf32, #tpu.memory_space<vmem>>
      %dma_wait3A_120 = arith.constant 0 : i32
      %dma_wait3A_121 = tpu.memref_slice %arg8[%add3A_107, %dma_wait3A_120] : memref<32x72xi32, #tpu.memory_space<vmem>> -> memref<1x72xi32, #tpu.memory_space<vmem>>
      %dma_wait3A_122 = tpu.memref_squeeze %dma_wait3A_121 : memref<1x72xi32, #tpu.memory_space<vmem>> -> memref<72xi32, #tpu.memory_space<vmem>>
      %dma_wait3A_123 = arith.constant 0 : i32
      %dma_wait3A_124 = arith.constant 0 : i32
      %dma_wait3A_125 = tpu.memref_slice %arg3[%dma_wait3A_123, %dma_wait3A_124] : memref<1000000x128xf32, #tpu.memory_space<hbm>> -> memref<1000000x128xf32, #tpu.memory_space<hbm>>
      tpu.wait_indirect_dma semaphore(%arg15 : memref<!tpu.dma_semaphore, #tpu.memory_space<semaphore_mem>>) src(%dma_wait3A_125 : memref<1000000x128xf32, #tpu.memory_space<hbm>>) dst(%dma_wait3A_119 : memref<72x128xf32, #tpu.memory_space<vmem>>)
      %lt3A = arith.constant 15 : i32
      %lt3A_126 = arith.cmpi slt, %scan3A_62, %lt3A : i32
      %convert_element_type3A = arith.extui %lt3A_126 : i1 to i32
      %cond3A = arith.constant 0 : i32
      %cond3A_127 = arith.cmpi ne, %convert_element_type3A, %cond3A : i32
      scf.if %cond3A_127 {
        %add3A_135 = arith.constant 2 : i32
        %add3A_136 = arith.addi %mul3A_65, %add3A_135 : i32
        %dma_start3A_137 = arith.constant 0 : i32
        %dma_start3A_138 = arith.constant 0 : i32
        %dma_start3A_139 = tpu.memref_slice %arg9[%dma_start3A_137, %dma_start3A_138] : memref<200x128xf32, #tpu.memory_space<vmem>> -> memref<128x128xf32, #tpu.memory_space<vmem>>
        %dma_start3A_140 = arith.constant 0 : i32
        %dma_start3A_141 = tpu.memref_slice %arg7[%add3A_136, %dma_start3A_140] : memref<32x128xi32, #tpu.memory_space<vmem>> -> memref<1x128xi32, #tpu.memory_space<vmem>>
        %dma_start3A_142 = tpu.memref_squeeze %dma_start3A_141 : memref<1x128xi32, #tpu.memory_space<vmem>> -> memref<128xi32, #tpu.memory_space<vmem>>
        %dma_start3A_143 = arith.constant 0 : i32
        %dma_start3A_144 = arith.constant 0 : i32
        %dma_start3A_145 = tpu.memref_slice %arg3[%dma_start3A_143, %dma_start3A_144] : memref<1000000x128xf32, #tpu.memory_space<hbm>> -> memref<1000000x128xf32, #tpu.memory_space<hbm>>
        tpu.enqueue_indirect_dma source(%dma_start3A_145 : memref<1000000x128xf32, #tpu.memory_space<hbm>>) target(%dma_start3A_139 : memref<128x128xf32, #tpu.memory_space<vmem>>) offsets(%dma_start3A_142 : memref<128xi32, #tpu.memory_space<vmem>>) semaphore(%arg14 : memref<!tpu.dma_semaphore, #tpu.memory_space<semaphore_mem>>)
        %dma_start3A_146 = arith.constant 128 : i32
        %dma_start3A_147 = arith.constant 0 : i32
        %dma_start3A_148 = tpu.memref_slice %arg9[%dma_start3A_146, %dma_start3A_147] : memref<200x128xf32, #tpu.memory_space<vmem>> -> memref<72x128xf32, #tpu.memory_space<vmem>>
        %dma_start3A_149 = arith.constant 0 : i32
        %dma_start3A_150 = tpu.memref_slice %arg8[%add3A_136, %dma_start3A_149] : memref<32x72xi32, #tpu.memory_space<vmem>> -> memref<1x72xi32, #tpu.memory_space<vmem>>
        %dma_start3A_151 = tpu.memref_squeeze %dma_start3A_150 : memref<1x72xi32, #tpu.memory_space<vmem>> -> memref<72xi32, #tpu.memory_space<vmem>>
        %dma_start3A_152 = arith.constant 0 : i32
        %dma_start3A_153 = arith.constant 0 : i32
        %dma_start3A_154 = tpu.memref_slice %arg3[%dma_start3A_152, %dma_start3A_153] : memref<1000000x128xf32, #tpu.memory_space<hbm>> -> memref<1000000x128xf32, #tpu.memory_space<hbm>>
        tpu.enqueue_indirect_dma source(%dma_start3A_154 : memref<1000000x128xf32, #tpu.memory_space<hbm>>) target(%dma_start3A_148 : memref<72x128xf32, #tpu.memory_space<vmem>>) offsets(%dma_start3A_151 : memref<72xi32, #tpu.memory_space<vmem>>) semaphore(%arg14 : memref<!tpu.dma_semaphore, #tpu.memory_space<semaphore_mem>>)
      } else {
      }
      %add3A_128 = arith.constant 1 : i32
      %add3A_129 = arith.addi %mul3A_65, %add3A_128 : i32
      %parallel_loop3A_130 = arith.constant 0 : i32
      %parallel_loop3A_131 = arith.constant 200 : i32
      %parallel_loop3A_132 = arith.constant 1 : i32
      scf.for %parallel_loop3A_135 = %parallel_loop3A_130 to %parallel_loop3A_131 step %parallel_loop3A_132  : i32 {
        %parallel_loop3A_136 = arith.index_cast %parallel_loop3A_135 : i32 to index
        %parallel_loop3A_137 = arith.constant 0 : index
        %parallel_loop3A_138 = tpu.vector_load %arg10[%parallel_loop3A_136, %parallel_loop3A_137] {strides = array<i32>} : memref<200x128xf32, #tpu.memory_space<vmem>>, vector<1x16xf32>,
        %parallel_loop3A_139 = vector.shape_cast %parallel_loop3A_138 : vector<1x16xf32> to vector<16xf32>
        %parallel_loop3A_140 = arith.constant 8.000000e+00 : f32
        %parallel_loop3A_141 = vector.broadcast %parallel_loop3A_140 : f32 to vector<16xf32>
        %parallel_loop3A_142 = arith.mulf %parallel_loop3A_139, %parallel_loop3A_141 : vector<16xf32>
        %parallel_loop3A_143 = arith.constant 64 : i32
        %parallel_loop3A_144 = arith.muli %parallel_loop3A_135, %parallel_loop3A_143 : i32
        %parallel_loop3A_145 = arith.constant 0 : i32
        %parallel_loop3A_146 = arith.addi %parallel_loop3A_144, %parallel_loop3A_145 : i32
        %parallel_loop3A_147 = arith.index_cast %parallel_loop3A_146 : i32 to index
        %parallel_loop3A_148 = tpu.vector_load %arg12[%parallel_loop3A_147] {strides = array<i32>} : memref<12800xf32, #tpu.memory_space<vmem>>, vector<16xf32>,
        %parallel_loop3A_149 = vector.shape_cast %parallel_loop3A_148 : vector<16xf32> to vector<16xf32>
        %parallel_loop3A_150 = arith.addf %parallel_loop3A_142, %parallel_loop3A_149 : vector<16xf32>
        %parallel_loop3A_151 = arith.index_cast %parallel_loop3A_135 : i32 to index
        %parallel_loop3A_152 = arith.constant 0 : index
        %parallel_loop3A_153 = tpu.vector_load %arg11[%parallel_loop3A_151, %parallel_loop3A_152] {strides = array<i32>} : memref<208x128xf32, #tpu.memory_space<vmem>>, vector<1x16xf32>,
        %parallel_loop3A_154 = vector.shape_cast %parallel_loop3A_153 : vector<1x16xf32> to vector<16xf32>
        %parallel_loop3A_155 = vector.shape_cast %parallel_loop3A_150 : vector<16xf32> to vector<1x16xf32>
        tpu.vector_store %arg11[%parallel_loop3A_151, %parallel_loop3A_152], %parallel_loop3A_155 {strides = array<i32>} : memref<208x128xf32, #tpu.memory_space<vmem>>, vector<1x16xf32>,
        %parallel_loop3A_156 = arith.index_cast %parallel_loop3A_135 : i32 to index
        %parallel_loop3A_157 = arith.constant 16 : index
        %parallel_loop3A_158 = tpu.vector_load %arg10[%parallel_loop3A_156, %parallel_loop3A_157] {strides = array<i32>} : memref<200x128xf32, #tpu.memory_space<vmem>>, vector<1x16xf32>,
        %parallel_loop3A_159 = vector.shape_cast %parallel_loop3A_158 : vector<1x16xf32> to vector<16xf32>
        %parallel_loop3A_160 = arith.constant 8.000000e+00 : f32
        %parallel_loop3A_161 = vector.broadcast %parallel_loop3A_160 : f32 to vector<16xf32>
        %parallel_loop3A_162 = arith.mulf %parallel_loop3A_159, %parallel_loop3A_161 : vector<16xf32>
        %parallel_loop3A_163 = arith.constant 64 : i32
        %parallel_loop3A_164 = arith.muli %parallel_loop3A_135, %parallel_loop3A_163 : i32
        %parallel_loop3A_165 = arith.constant 16 : i32
        %parallel_loop3A_166 = arith.addi %parallel_loop3A_164, %parallel_loop3A_165 : i32
        %parallel_loop3A_167 = arith.index_cast %parallel_loop3A_166 : i32 to index
        %parallel_loop3A_168 = tpu.vector_load %arg12[%parallel_loop3A_167] {strides = array<i32>} : memref<12800xf32, #tpu.memory_space<vmem>>, vector<16xf32>,
        %parallel_loop3A_169 = vector.shape_cast %parallel_loop3A_168 : vector<16xf32> to vector<16xf32>
        %parallel_loop3A_170 = arith.addf %parallel_loop3A_162, %parallel_loop3A_169 : vector<16xf32>
        %parallel_loop3A_171 = arith.index_cast %parallel_loop3A_135 : i32 to index
        %parallel_loop3A_172 = arith.constant 16 : index
        %parallel_loop3A_173 = tpu.vector_load %arg11[%parallel_loop3A_171, %parallel_loop3A_172] {strides = array<i32>} : memref<208x128xf32, #tpu.memory_space<vmem>>, vector<1x16xf32>,
        %parallel_loop3A_174 = vector.shape_cast %parallel_loop3A_173 : vector<1x16xf32> to vector<16xf32>
        %parallel_loop3A_175 = vector.shape_cast %parallel_loop3A_170 : vector<16xf32> to vector<1x16xf32>
        tpu.vector_store %arg11[%parallel_loop3A_171, %parallel_loop3A_172], %parallel_loop3A_175 {strides = array<i32>} : memref<208x128xf32, #tpu.memory_space<vmem>>, vector<1x16xf32>,
        %parallel_loop3A_176 = arith.index_cast %parallel_loop3A_135 : i32 to index
        %parallel_loop3A_177 = arith.constant 32 : index
        %parallel_loop3A_178 = tpu.vector_load %arg10[%parallel_loop3A_176, %parallel_loop3A_177] {strides = array<i32>} : memref<200x128xf32, #tpu.memory_space<vmem>>, vector<1x16xf32>,
        %parallel_loop3A_179 = vector.shape_cast %parallel_loop3A_178 : vector<1x16xf32> to vector<16xf32>
        %parallel_loop3A_180 = arith.constant 8.000000e+00 : f32
        %parallel_loop3A_181 = vector.broadcast %parallel_loop3A_180 : f32 to vector<16xf32>
        %parallel_loop3A_182 = arith.mulf %parallel_loop3A_179, %parallel_loop3A_181 : vector<16xf32>
        %parallel_loop3A_183 = arith.constant 64 : i32
        %parallel_loop3A_184 = arith.muli %parallel_loop3A_135, %parallel_loop3A_183 : i32
        %parallel_loop3A_185 = arith.constant 32 : i32
        %parallel_loop3A_186 = arith.addi %parallel_loop3A_184, %parallel_loop3A_185 : i32
        %parallel_loop3A_187 = arith.index_cast %parallel_loop3A_186 : i32 to index
        %parallel_loop3A_188 = tpu.vector_load %arg12[%parallel_loop3A_187] {strides = array<i32>} : memref<12800xf32, #tpu.memory_space<vmem>>, vector<16xf32>,
        %parallel_loop3A_189 = vector.shape_cast %parallel_loop3A_188 : vector<16xf32> to vector<16xf32>
        %parallel_loop3A_190 = arith.addf %parallel_loop3A_182, %parallel_loop3A_189 : vector<16xf32>
        %parallel_loop3A_191 = arith.index_cast %parallel_loop3A_135 : i32 to index
        %parallel_loop3A_192 = arith.constant 32 : index
        %parallel_loop3A_193 = tpu.vector_load %arg11[%parallel_loop3A_191, %parallel_loop3A_192] {strides = array<i32>} : memref<208x128xf32, #tpu.memory_space<vmem>>, vector<1x16xf32>,
        %parallel_loop3A_194 = vector.shape_cast %parallel_loop3A_193 : vector<1x16xf32> to vector<16xf32>
        %parallel_loop3A_195 = vector.shape_cast %parallel_loop3A_190 : vector<16xf32> to vector<1x16xf32>
        tpu.vector_store %arg11[%parallel_loop3A_191, %parallel_loop3A_192], %parallel_loop3A_195 {strides = array<i32>} : memref<208x128xf32, #tpu.memory_space<vmem>>, vector<1x16xf32>,
        %parallel_loop3A_196 = arith.index_cast %parallel_loop3A_135 : i32 to index
        %parallel_loop3A_197 = arith.constant 48 : index
        %parallel_loop3A_198 = tpu.vector_load %arg10[%parallel_loop3A_196, %parallel_loop3A_197] {strides = array<i32>} : memref<200x128xf32, #tpu.memory_space<vmem>>, vector<1x16xf32>,
        %parallel_loop3A_199 = vector.shape_cast %parallel_loop3A_198 : vector<1x16xf32> to vector<16xf32>
        %parallel_loop3A_200 = arith.constant 8.000000e+00 : f32
        %parallel_loop3A_201 = vector.broadcast %parallel_loop3A_200 : f32 to vector<16xf32>
        %parallel_loop3A_202 = arith.mulf %parallel_loop3A_199, %parallel_loop3A_201 : vector<16xf32>
        %parallel_loop3A_203 = arith.constant 64 : i32
        %parallel_loop3A_204 = arith.muli %parallel_loop3A_135, %parallel_loop3A_203 : i32
        %parallel_loop3A_205 = arith.constant 48 : i32
        %parallel_loop3A_206 = arith.addi %parallel_loop3A_204, %parallel_loop3A_205 : i32
        %parallel_loop3A_207 = arith.index_cast %parallel_loop3A_206 : i32 to index
        %parallel_loop3A_208 = tpu.vector_load %arg12[%parallel_loop3A_207] {strides = array<i32>} : memref<12800xf32, #tpu.memory_space<vmem>>, vector<16xf32>,
        %parallel_loop3A_209 = vector.shape_cast %parallel_loop3A_208 : vector<16xf32> to vector<16xf32>
        %parallel_loop3A_210 = arith.addf %parallel_loop3A_202, %parallel_loop3A_209 : vector<16xf32>
        %parallel_loop3A_211 = arith.index_cast %parallel_loop3A_135 : i32 to index
        %parallel_loop3A_212 = arith.constant 48 : index
        %parallel_loop3A_213 = tpu.vector_load %arg11[%parallel_loop3A_211, %parallel_loop3A_212] {strides = array<i32>} : memref<208x128xf32, #tpu.memory_space<vmem>>, vector<1x16xf32>,
        %parallel_loop3A_214 = vector.shape_cast %parallel_loop3A_213 : vector<1x16xf32> to vector<16xf32>
        %parallel_loop3A_215 = vector.shape_cast %parallel_loop3A_210 : vector<16xf32> to vector<1x16xf32>
        tpu.vector_store %arg11[%parallel_loop3A_211, %parallel_loop3A_212], %parallel_loop3A_215 {strides = array<i32>} : memref<208x128xf32, #tpu.memory_space<vmem>>, vector<1x16xf32>,
      } {sc.loop_unroll_factor = 8 : i64, sc.parallel_access}
      %add3A_133 = arith.addi %mul3A_2, %add3A_129 : i32
      "tpu.region"() ({
        %run_scoped3A = tpu.sem_alloc : memref<!tpu.dma_semaphore, #tpu.memory_space<semaphore_mem>>
        %dma_start3A_135 = arith.constant 0 : i32
        %dma_start3A_136 = arith.constant 0 : i32
        %dma_start3A_137 = tpu.memref_slice %arg6[%add3A_133, %dma_start3A_135, %dma_start3A_136] : memref<1024x208x128xf32, #tpu.memory_space<hbm>> -> memref<1x208x128xf32, #tpu.memory_space<hbm>>
        %dma_start3A_138 = tpu.memref_squeeze %dma_start3A_137 : memref<1x208x128xf32, #tpu.memory_space<hbm>> -> memref<208x128xf32, #tpu.memory_space<hbm>>
        %dma_start3A_139 = arith.constant 0 : i32
        %dma_start3A_140 = arith.constant 0 : i32
        %dma_start3A_141 = tpu.memref_slice %arg6[%add3A_133, %dma_start3A_139, %dma_start3A_140] : memref<1024x208x128xf32, #tpu.memory_space<hbm>> -> memref<1x208x128xf32, #tpu.memory_space<hbm>>
        %dma_start3A_142 = tpu.memref_squeeze %dma_start3A_141 : memref<1x208x128xf32, #tpu.memory_space<hbm>> -> memref<208x128xf32, #tpu.memory_space<hbm>>
        tpu.enqueue_dma source(%arg11 : memref<208x128xf32, #tpu.memory_space<vmem>>) target(%dma_start3A_142 : memref<208x128xf32, #tpu.memory_space<hbm>>) target_semaphore(%run_scoped3A : memref<!tpu.dma_semaphore, #tpu.memory_space<semaphore_mem>>)
        %dma_wait3A_143 = arith.constant 0 : i32
        %dma_wait3A_144 = arith.constant 0 : i32
        %dma_wait3A_145 = tpu.memref_slice %arg6[%add3A_133, %dma_wait3A_143, %dma_wait3A_144] : memref<1024x208x128xf32, #tpu.memory_space<hbm>> -> memref<1x208x128xf32, #tpu.memory_space<hbm>>
        %dma_wait3A_146 = tpu.memref_squeeze %dma_wait3A_145 : memref<1x208x128xf32, #tpu.memory_space<hbm>> -> memref<208x128xf32, #tpu.memory_space<hbm>>
        %dma_wait3A_147 = arith.constant 0 : i32
        %dma_wait3A_148 = arith.constant 0 : i32
        %dma_wait3A_149 = tpu.memref_slice %arg6[%add3A_133, %dma_wait3A_147, %dma_wait3A_148] : memref<1024x208x128xf32, #tpu.memory_space<hbm>> -> memref<1x208x128xf32, #tpu.memory_space<hbm>>
        %dma_wait3A_150 = tpu.memref_squeeze %dma_wait3A_149 : memref<1x208x128xf32, #tpu.memory_space<hbm>> -> memref<208x128xf32, #tpu.memory_space<hbm>>
        tpu.wait_dma2 semaphore(%run_scoped3A : memref<!tpu.dma_semaphore, #tpu.memory_space<semaphore_mem>>) src(%arg11 : memref<208x128xf32, #tpu.memory_space<vmem>>) dst(%dma_wait3A_150 : memref<208x128xf32, #tpu.memory_space<hbm>>)
        tpu.yield
      }) : () -> ()
      %scan3A_134 = arith.constant 0 : i32
      scf.yield %scan3A_134 : i32
    }
    %scan3A_61 = arith.constant 16 : i32
    return
  }
}

module attributes {stable_mosaic.version = 14 : i64} {
  func.func @_mask_body(%arg0: i32, %arg1: memref<201x1024xi32, #tpu.memory_space<vmem>>, %arg2: memref<3x201x1024xi32, #tpu.memory_space<vmem>>) attributes {dimension_semantics = [#tpu.dimension_semantics<arbitrary>], iteration_bounds = array<i64: 67>, scalar_prefetch = 0 : i64, scratch_operands = 0 : i64, tpu.core_type = #tpu.core_type<tc>, window_params = [{pipeline_mode = #tpu.pipeline_mode<synchronous>, transform_indices = @transform_0, window_bounds = array<i64: 201, 1024>}, {transform_indices = @transform_1, window_bounds = array<i64: 3, 201, 1024>}]} {
    %get3A = arith.constant 0 : index
    %get3A_0 = arith.constant 0 : index
    %get3A_1 = vector.load %arg1[%get3A, %get3A_0] : memref<201x1024xi32, #tpu.memory_space<vmem>>, vector<201x1024xi32>
    %iota3A = tpu.iota {dimensions = array<i32: 0>} : vector<201x1024xi32>
    %broadcast_in_dim3A = arith.constant 0 : i32
    %broadcast_in_dim3A_2 = vector.broadcast %broadcast_in_dim3A : i32 to vector<201x1024xi32>
    %mul3A = arith.constant 3 : i32
    %mul3A_3 = arith.muli %arg0, %mul3A : i32
    %add3A = arith.constant 0 : i32
    %add3A_4 = arith.addi %mul3A_3, %add3A : i32
    %le3A = vector.broadcast %add3A_4 : i32 to vector<201x1024xi32>
    %le3A_5 = arith.cmpi sle, %iota3A, %le3A : vector<201x1024xi32>
    %select_n3A = arith.select %le3A_5, %get3A_1, %broadcast_in_dim3A_2 : vector<201x1024xi1>, vector<201x1024xi32>
    %swap3A = arith.constant 0 : index
    %swap3A_6 = arith.constant 0 : index
    %swap3A_7 = arith.constant 0 : index
    %swap3A_8 = vector.load %arg2[%swap3A, %swap3A_6, %swap3A_7] : memref<3x201x1024xi32, #tpu.memory_space<vmem>>, vector<1x201x1024xi32>
    %swap3A_9 = vector.shape_cast %swap3A_8 : vector<1x201x1024xi32> to vector<201x1024xi32>
    %swap3A_10 = vector.shape_cast %select_n3A : vector<201x1024xi32> to vector<1x201x1024xi32>
    tpu.vector_store %arg2[%swap3A, %swap3A_6, %swap3A_7], %swap3A_10 {strides = array<i32>} : memref<3x201x1024xi32, #tpu.memory_space<vmem>>, vector<1x201x1024xi32>,
    %mul3A_11 = arith.constant 3 : i32
    %mul3A_12 = arith.muli %arg0, %mul3A_11 : i32
    %add3A_13 = arith.constant 1 : i32
    %add3A_14 = arith.addi %mul3A_12, %add3A_13 : i32
    %le3A_15 = vector.broadcast %add3A_14 : i32 to vector<201x1024xi32>
    %le3A_16 = arith.cmpi sle, %iota3A, %le3A_15 : vector<201x1024xi32>
    %select_n3A_17 = arith.select %le3A_16, %get3A_1, %broadcast_in_dim3A_2 : vector<201x1024xi1>, vector<201x1024xi32>
    %swap3A_18 = arith.constant 1 : index
    %swap3A_19 = arith.constant 0 : index
    %swap3A_20 = arith.constant 0 : index
    %swap3A_21 = vector.load %arg2[%swap3A_18, %swap3A_19, %swap3A_20] : memref<3x201x1024xi32, #tpu.memory_space<vmem>>, vector<1x201x1024xi32>
    %swap3A_22 = vector.shape_cast %swap3A_21 : vector<1x201x1024xi32> to vector<201x1024xi32>
    %swap3A_23 = vector.shape_cast %select_n3A_17 : vector<201x1024xi32> to vector<1x201x1024xi32>
    tpu.vector_store %arg2[%swap3A_18, %swap3A_19, %swap3A_20], %swap3A_23 {strides = array<i32>} : memref<3x201x1024xi32, #tpu.memory_space<vmem>>, vector<1x201x1024xi32>,
    %mul3A_24 = arith.constant 3 : i32
    %mul3A_25 = arith.muli %arg0, %mul3A_24 : i32
    %add3A_26 = arith.constant 2 : i32
    %add3A_27 = arith.addi %mul3A_25, %add3A_26 : i32
    %le3A_28 = vector.broadcast %add3A_27 : i32 to vector<201x1024xi32>
    %le3A_29 = arith.cmpi sle, %iota3A, %le3A_28 : vector<201x1024xi32>
    %select_n3A_30 = arith.select %le3A_29, %get3A_1, %broadcast_in_dim3A_2 : vector<201x1024xi1>, vector<201x1024xi32>
    %swap3A_31 = arith.constant 2 : index
    %swap3A_32 = arith.constant 0 : index
    %swap3A_33 = arith.constant 0 : index
    %swap3A_34 = vector.load %arg2[%swap3A_31, %swap3A_32, %swap3A_33] : memref<3x201x1024xi32, #tpu.memory_space<vmem>>, vector<1x201x1024xi32>
    %swap3A_35 = vector.shape_cast %swap3A_34 : vector<1x201x1024xi32> to vector<201x1024xi32>
    %swap3A_36 = vector.shape_cast %select_n3A_30 : vector<201x1024xi32> to vector<1x201x1024xi32>
    tpu.vector_store %arg2[%swap3A_31, %swap3A_32, %swap3A_33], %swap3A_36 {strides = array<i32>} : memref<3x201x1024xi32, #tpu.memory_space<vmem>>, vector<1x201x1024xi32>,
    return
  }
  func.func @transform_0(%arg0: i32) -> (i32, i32) {
    %c0_i32 = arith.constant 0 : i32
    %c0_i32_0 = arith.constant 0 : i32
    %c0_i32_1 = arith.constant 0 : i32
    return %c0_i32, %c0_i32_0 : i32, i32
  }
  func.func @transform_1(%arg0: i32) -> (i32, i32, i32) {
    %c0_i32 = arith.constant 0 : i32
    %c0_i32_0 = arith.constant 0 : i32
    %c0_i32_1 = arith.constant 0 : i32
    return %arg0, %c0_i32, %c0_i32_0 : i32, i32, i32
  }
}

</mosaic_0001>

<sc_bundles>
// kernel: kernel.4.cloned.1.call-start
scs
__scs_entry_jumppad:
0x0: {  	(pc) =	sbr.rel $0x88, $3  }
0x1: {  	(tag) =	ssettag $0x0;
	lr =	simm.s32 $0x1  }
0x2: {  	[smem:$0x3F9D] =	sst lr;
	_ =	strace $0xD0000000  }
0x3: {  	_ = 	snop  }
0x4: {  	_ = 	snop  }
0x5: {  	_ = 	snop  }
0x6: {  	_ = 	snop  }
0x7: {  	_ = 	snop  }
__scs_overlays_trampoline_lowered:
0x8: {  	[smem:$0x3FAC] =	sst s0  }
0x9: {  	[smem:$0x3FAD] =	sst s1  }
0xa: {  	[smem:$0x3FAE] =	sst s2  }
0xb: {  	[smem:$0x3FAF] =	sst s3  }
0xc: {  	[smem:$0x3FB0] =	sst s4  }
0xd: {  	[smem:$0x3FB1] =	sst s5  }
0xe: {  	[smem:$0x3FB2] =	sst s6  }
0xf: {  	[smem:$0x3FB3] =	sst s7  }
0x10: {  	[smem:$0x3FB4] =	sst s8  }
0x11: {  	[smem:$0x3FB5] =	sst s9;
	s0 =	simm.s32 @!p0 $0x0  }
0x12: {  	s1 =	sld [smem:$0x3F9B];
	s0 =	simm.s32 @p0 $0x1  }
0x13: {  	[smem:$0x3FB6] =	sst s0;
	s0 =	simm.s32 @!p1 $0x0  }
0x14: {  	s2 =	sld [smem:$0x3F9A];
	s0 =	simm.s32 @p1 $0x1  }
0x15: {  	[smem:$0x3FB7] =	sst s0;
	s0 =	simm.s32 @!p2 $0x0  }
0x16: {  	s3 =	sld [smem:$0x3FDB];
	s0 =	simm.s32 @p2 $0x1  }
0x17: {  	s4 =	simm.s32 $0x1BF5;
	[smem:$0x3FB9] =	sst s0  }
0x18: {  	s0 =	sld [smem:$0x3F9C];
	_ =	swait.ge [sflag:s4], $0x0  }
0x19: {  	s7 =	sld [smem:$0x3F9D]  }
0x1a: {  	s8 =	sadd.s32 $0xFFFFE003, lr  }
0x1b: {  	s9 =	sadd.s32 $0xFFFFFEF7, lr;
	s5 =	simm.s32 $0xFFFFFFFF;
	p2 =	slt.u32 s8, $0xFFFFF086  }
0x1c: {  	p1 =	slt.u32 s9, $0xF7A;
	s5 =	simm.s32 @!p2 $0x0  }
0x1d: {  	s5 =	simm.s32 @p1 $0x1;
	p0 =	seq.s32 s7, s2  }
0x1e: {  	s7 =	smul.u32 @!p0 $0xF7A, s2;
	p2 =	seq.s32 @!p0 s5, $0x0  }
0x1f: {  	s9 =	smul.u32 $0xF7A, s1;
	s8 =	simm.s32 @!p0 $0x1BF5;
	p2 =	por !p2, p0  }
0x20: {  	[sflag:s8] =	ssyncset.s32 @!p0 $0xFFFFF086;
	s6 =	sadd.s32 @!p0 s3, s7;
	s7 =	simm.s32 @!p0 $0x108  }
0x21: {  	s3 =	sadd.s32 s3, s9;
	s6 =	sadd.s32 @!p0 $0x88, s6;
	s7 =	simm.s32 @p2 $0x1082  }
0x22: {  	[simem:s7], [sflag:s8] =	dma.local @!p0 [hbm:s6], $0xF7A  }
0x23: {  	s9 =	sor.u32 $0xD0000000, s2;
	s6 =	simm.s32 $0x108;
	_ =	swait.ge @!p0 [sflag:s8], $0x0  }
0x24: {  	s3 =	sadd.s32 $0x88, s3;
	s6 =	simm.s32 @!p1 $0x1082;
	[sflag:s4] =	ssyncset.s32 $0xFFFFF086  }
0x25: {  	[simem:s6], [sflag:s4] =	dma.local [hbm:s3], $0xF7A  }
0x26: {  	[smem:$0x3F9D] =	sst s1;
	(tag) =	ssettag s2;
	_ =	strace s9  }
0x27: {  	s1 =	sld [smem:$0x3FAD]  }
0x28: {  	s2 =	sld [smem:$0x3FAE]  }
0x29: {  	s4 =	sld [smem:$0x3FB0]  }
0x2a: {  	p0 =	seq.s32 s5, $0x0;
	s5 =	sld [smem:$0x3FB1]  }
0x2b: {  	s6 =	sld [smem:$0x3FB2]  }
0x2c: {  	s7 =	sld [smem:$0x3FB3]  }
0x2d: {  	s3 =	simm.s32 $0x108;
	s8 =	sld [smem:$0x3FB4]  }
0x2e: {  	s3 =	simm.s32 @!p0 $0x1082;
	s9 =	sld [smem:$0x3FB5]  }
0x2f: {  	lr =	sadd.s32 s0, s3;
	s0 =	sld [smem:$0x3FAC]  }
0x30: {  	s3 =	sld [smem:$0x3FAF]  }
0x31: {  	[smem:$0x3FB8] =	sst s10  }
0x32: {  	s10 =	sld [smem:$0x3FB6];
	_ =	sdelay $0x3  }
0x33: {  	p0 =	seq.s32 s10, $0x1;
	s10 =	sld [smem:$0x3FB8];
	_ =	sdelay $0x3  }
0x34: {  	[smem:$0x3FB8] =	sst s10  }
0x35: {  	s10 =	sld [smem:$0x3FB7];
	_ =	sdelay $0x3  }
0x36: {  	p1 =	seq.s32 s10, $0x1;
	s10 =	sld [smem:$0x3FB8];
	_ =	sdelay $0x3  }
0x37: {  	[smem:$0x3FB8] =	sst s10  }
0x38: {  	s10 =	sld [smem:$0x3FB9]  }
0x39: {  	_ = 	snop;
	(pc) =	sbr.ind lr, $3  }
0x3a: {  	_ = 	snop  }
0x3b: {  	_ = 	snop  }
0x3c: {  	p2 =	seq.s32 s10, $0x1;
	s10 =	sld [smem:$0x3FB8]  }
0x3d: {  	_ =	shalt  }
0x3e: {  	_ =	shalt  }
0x3f: {  	_ =	shalt  }
0x40: {  	_ =	shalt  }
0x41: {  	_ =	shalt  }
0x42: {  	_ =	shalt  }
0x43: {  	_ =	shalt  }
0x44: {  	_ =	shalt  }
0x45: {  	_ =	shalt  }
0x46: {  	_ =	shalt  }
0x47: {  	_ =	shalt  }
0x48: {  	_ =	shalt  }
0x49: {  	_ =	shalt  }
0x4a: {  	_ =	shalt  }
0x4b: {  	_ =	shalt  }
0x4c: {  	_ =	shalt  }
0x4d: {  	_ =	shalt  }
0x4e: {  	_ =	shalt  }
0x4f: {  	_ =	shalt  }
0x50: {  	_ =	shalt  }
0x51: {  	_ =	shalt  }
0x52: {  	_ =	shalt  }
0x53: {  	_ =	shalt  }
0x54: {  	_ =	shalt  }
0x55: {  	_ =	shalt  }
0x56: {  	_ =	shalt  }
0x57: {  	_ =	shalt  }
0x58: {  	_ =	shalt  }
0x59: {  	_ =	shalt  }
0x5a: {  	_ =	shalt  }
0x5b: {  	_ =	shalt  }
0x5c: {  	_ =	shalt  }
0x5d: {  	_ =	shalt  }
0x5e: {  	_ =	shalt  }
0x5f: {  	_ =	shalt  }
0x60: {  	_ =	shalt  }
0x61: {  	_ =	shalt  }
0x62: {  	_ =	shalt  }
0x63: {  	_ =	shalt  }
0x64: {  	_ =	shalt  }
0x65: {  	_ =	shalt  }
0x66: {  	_ =	shalt  }
0x67: {  	_ =	shalt  }
0x68: {  	_ =	shalt  }
0x69: {  	_ =	shalt  }
0x6a: {  	_ =	shalt  }
0x6b: {  	_ =	shalt  }
0x6c: {  	_ =	shalt  }
0x6d: {  	_ =	shalt  }
0x6e: {  	_ =	shalt  }
0x6f: {  	_ =	shalt  }
0x70: {  	_ =	shalt  }
0x71: {  	_ =	shalt  }
0x72: {  	_ =	shalt  }
0x73: {  	_ =	shalt  }
0x74: {  	_ =	shalt  }
0x75: {  	_ =	shalt  }
0x76: {  	_ =	shalt  }
0x77: {  	_ =	shalt  }
0x78: {  	_ =	shalt  }
0x79: {  	_ =	shalt  }
0x7a: {  	_ =	shalt  }
0x7b: {  	_ =	shalt  }
0x7c: {  	_ =	shalt  }
0x7d: {  	_ =	shalt  }
0x7e: {  	_ =	shalt  }
0x7f: {  	_ =	shalt  }
0x80: {  	_ =	shalt  }
0x81: {  	_ =	shalt  }
0x82: {  	_ =	shalt  }
0x83: {  	_ =	shalt  }
0x84: {  	_ =	shalt  }
0x85: {  	_ =	shalt  }
0x86: {  	_ =	shalt  }
0x87: {  	_ =	shalt  }
.Lfunc_end0:
.L_simem_size_0:
called_computation.1_lowered:
.L_overlay_start_0:
0x88: {  	s2 =	sld [smem:$0x3FD9]  }
0x89: {  	s3 =	sld [smem:$0x3FFE];
	_ =	sdelay $0x1  }
0x8a: {  	s1 =	srdreg.scid  }
0x8b: {  	s0 =	sand.u32 $0x1, s1  }
0x8c: {  	s14 =	sshll.u32 s0, $0xA;
	s2 =	sadd.s32 s3, s2  }
0x8d: {  	s2 =	sadd.s32 s2, s14  }
0x8e: {  	[smem:$0x3FC4] =	sst s2  }
0x8f: {  	_ = 	snop  }
0x90: {  	s2 =	sld [smem:$0x3FD0];
	_ =	sdelay $0x2  }
0x91: {  	s15 =	simm.s32 $0xA;
	s4 =	simm.s32 $0x10  }
0x92: {  	[smem:s4], [sflag:s15] =	dma.local [hbm:s2], $0x1  }
0x93: {  	_ =	swait.eq [sflag:s15], $0x1  }
0x94: {  	[sflag:s15] =	ssyncset.done $0x0  }
0x95: {  	s16 =	sld [smem:$0x10];
	[sflag:s15] =	ssyncadd.s32 $0xFFFFFFFF  }
0x96: {  	s17 =	sld [smem:$0x11];
	(tm) =	ssettm $0x1  }
0x97: {  	s18 =	sld [smem:$0x3FFB];
	_ =	sdelay $0x3  }
0x98: {  	_ =	strace s18  }
0x99: {  	s4 =	sld [smem:$0x3FFC];
	_ =	sdelay $0x3  }
0x9a: {  	_ =	strace s4  }
0x9b: {  	s4 =	sld [smem:$0x3FFD];
	_ =	sdelay $0x3  }
0x9c: {  	_ =	strace s4  }
0x9d: {  	_ =	strace $0x8FFFFFFF  }
0x9e: {  	s19 =	sld [smem:$0x3FDB];
	_ =	sdelay $0x1  }
0x9f: {  	s5 =	simm.s32 $_scs_section_size  }
0xa0: {  	s6 =	simm.s32 $_size__tile_overlayer_lowered;
	s7 =	simm.s32 $_tile_overlayer_lowered  }
0xa1: {  	s22 =	simm.s32 $0x1BFF;
	s21 =	sshll.u32 s7, $0x1;
	s4 =	sadd.s32 s5, s19  }
0xa2: {  	s8 =	simm.s32 $0x0;
	s20 =	sshll.u32 s6, $0x1;
	s6 =	sadd.s32 s21, s4  }
0xa3: {  	[timem:s8], [sflag:s22] =	dma.local [hbm:s6], s20  }
0xa4: {  	_ =	swait.ge [sflag:s22], s20  }
0xa5: {  	s5 =	ssub.s32 $0x0, s20;
	[sflag:s22] =	ssyncset.done $0x0  }
0xa6: {  	[sflag:s22] =	ssyncadd.s32 s5;
	_ =	sdelay $0x1  }
0xa7: {  	s23 =	simm.s32 $0x1B8B  }
0xa8: {  	_ =	swait.ge [sflag:s23], $0x1  }
0xa9: {  	[sflag:s23] =	ssyncset.done $0x0  }
0xaa: {  	s25 =	simm.s32 $0x1B8E;
	s24 =	sld [smem:$0x3FFE];
	[sflag:s23] =	ssyncadd.s32 $0xFFFFFFFF  }
0xab: {  	s26 =	simm.s32 $execute0_lowered;
	[smem:$0x3FD2] =	sst s25  }
0xac: {  	s6 =	sshll.u32 s26, $0x1;
	_ =	strace $0x80000046;
	[dreg:$0x1] =	wrdreg $0xFFFFFFFF  }
0xad: {  	s28 =	simm.s32 $_size_execute0_lowered;
	s4 =	sadd.s32 s4, s6;
	[dreg:$0x0] =	wrdreg $0x0  }
0xae: {  	s6 =	sshll.u32 s28, $0x1;
	[dreg:$0x2] =	wrdreg s4  }
0xaf: {  	[dreg:$0x3] =	wrdreg s6  }
0xb0: {  	[dreg:$0x4] =	wrdreg $0xC0  }
0xb1: {  	_ =	task [dreg:s8], $0x5FFFF  }
0xb2: {  	[dreg:$0x1] =	wrdreg $0xFFFFFFFF  }
0xb3: {  	[dreg:$0x0] =	wrdreg $0x60  }
0xb4: {  	[dreg:$0x2] =	wrdreg s16  }
0xb5: {  	[dreg:$0x3] =	wrdreg s24  }
0xb6: {  	[dreg:$0x4] =	wrdreg s17  }
0xb7: {  	[dreg:$0x5] =	wrdreg $0x9  }
0xb8: {  	_ =	task.clear_ibuf [dreg:s8], $0x6FFFF;
	_ =	strace $0x90000046  }
0xb9: {  	s29 =	simm.s32 $0x9;
	_ =	strace $0x80000048  }
0xba: {  	_ =	swait.ge [sflag:s29], $0x1  }
0xbb: {  	[sflag:s29] =	ssyncadd.s32 $0xFFFFFFFF  }
0xbc: {  	_ =	strace $0x90000048  }
0xbd: {  	_ =	sfence  }
0xbe: {  	s30 =	sld [smem:$0x0];
	_ =	sdelay $0x2  }
0xbf: {  	s31 =	sshll.u32 s1, $0xD;
	s1 =	sshrl.u32 s1, $0x2  }
0xc0: {  	s3 =	sand.u32 $0x4000, s31;
	s1 =	sadd.s32 s1, s30  }
0xc1: {  	s0 =	sor.u32 s3, s0;
	s1 =	sshll.u32 s1, $0x11  }
0xc2: {  	s0 =	sor.u32 s1, s0  }
0xc3: {  	s0 =	sadd.s32 $0x8F2B, s0  }
0xc4: {  	[sflag:s0] =	ssyncadd.remote.s32 $0x1  }
0xc5: {  	_ =	sfence.sel $0xFFFF  }
0xc6: {  	[dreg:$0x0] =	wrdreg $0xFFFFFFFF;
	(pc) =	sbr.abs _section_cstart, $3  }
0xc7: {  	[dreg:$0x1] =	wrdreg $0xFFFFFFFF  }
0xc8: {  	_ =	task.clear_ibuf [dreg:s8], $0x2FFFF;
	_ =	strace $0x9FFFFFFF  }
0xc9: {  	(tm) =	ssettm $0x7FFFFFFF  }
tec
execute0_lowered:
.L_overlay_start_1:
0x0: {  	(tag) =	ssettag $0x1  }
0x1: {  	s0 =	rddreg [dreg:$0x0]  }
0x2: {  	s1 =	rddreg [dreg:$0x1];
	s3 =	simm.s32 $0x0;
	s2 =	srdreg.scid  }
0x3: {  	s4 =	stileid.u32;
	s12 =	simm.s32 $0x3;
	s17 =	simm.s32 $0x80  }
0x4: {  	s19 =	simm.s32 $0x48;
	s21 =	simm.s32 $0x1;
	s22 =	simm.s32 $0x8400  }
0x5: {  	s23 =	simm.s32 $0xC400;
	s24 =	simm.s32 $0xE800;
	s2 =	sand.u32 $0x1, s2  }
0x6: {  	[smem:$0x7FF] =	sst s3;
	s5 =	sshll.u32 s4, $0x6;
	s6 =	sshll.u32 s2, $0x5  }
0x7: {  	s28 =	sadd.s32 $0xF43400, s1;
	s2 =	ssub.s32 $0x2, s2;
	s5 =	sor.u32 s6, s5  }
0x8: {  	_ =	strace $0x80000047;
	s29 =	sshrl.u32 s2, $0x1;
	s8 =	sshll.u32 s5, $0x5  }
0x9: {  	[dreg:$0x4] =	wrdreg s28;
	s30 =	ssub.s32 s2, s29;
	s0 =	sadd.s32 s0, s8  }
0xa: {  	s25 =	simm.s32 $0x2;
	s31 =	smax.u32 s30, $0x1;
	[dreg:$0x5] =	wrdreg s0  }
0xb: {  	s26 =	simm.s32 $0x0;
	s0 =	sadd.s32 $0x80, s0;
	[dreg:$0x7] =	wrdreg s31  }
0xc: {  	s4 =	sadd.s32 $0xF43600, s1;
	s7 =	sadd.s32 $0x1000, s1;
	[dreg:$0x6] =	wrdreg s0  }
.LBB2_1:
0xd: {  	s0 =	rddreg [dreg:$0x2];
	s1 =	simm.s32 $0x15000  }
0xe: {  	[tilespmem:s1], [sflag:$0x3] =	stream.linear.gather [hbm4b:s0+s3], $0x3200, $0x38;
	[tilespmem:$0x18280] =	vst v63  }
0xf: {  	_ =	swait.ge [sflag:s12], $0x3200  }
0x10: {  	[sflag:s12] =	ssyncset.done $0x0  }
0x11: {  	s16 =	simm.s32 $0x18200;
	s15 =	rddreg [dreg:$0x4];
	[sflag:s12] =	ssyncadd.s32 $0xFFFFCE00  }
0x12: {  	[tilespmem:s16], [sflag:$0x3] =	stream.linear.gather [hbm4b:s15+s3], $0x80, $0x38;
	[tilespmem:$0x18280] =	vst v63  }
0x13: {  	_ =	swait.ge [sflag:s12], $0x80  }
0x14: {  	s20 =	simm.s32 $0x400;
	[sflag:s12] =	ssyncset.done $0x0  }
0x15: {  	s2 =	simm.s32 $0x800;
	s18 =	rddreg [dreg:$0x5];
	[sflag:s12] =	ssyncadd.s32 $0xFFFFFF80  }
0x16: {  	[tilespmem:s3], [sflag:$0x3] =	stream.strided.gather [hbm4b:s18+s20], $0x1000, s2, s20, $0x38;
	[tilespmem:$0x18280] =	vst v63  }
0x17: {  	_ =	swait.ge [sflag:s12], $0x1000  }
0x18: {  	[sflag:s12] =	ssyncset.done $0x0  }
0x19: {  	s6 =	simm.s32 $0x1000;
	s29 =	rddreg [dreg:$0x6];
	[sflag:s12] =	ssyncadd.s32 $0xFFFFF000  }
0x1a: {  	[tilespmem:s6], [sflag:$0x3] =	stream.strided.gather [hbm4b:s29+s20], $0x1000, s2, s20, $0x38;
	[tilespmem:$0x18280] =	vst v63  }
0x1b: {  	_ =	swait.ge [sflag:s12], $0x1000  }
0x1c: {  	[sflag:s12] =	ssyncset.done $0x0  }
0x1d: {  	[sflag:s12] =	ssyncadd.s32 $0xFFFFF000  }
0x1e: {  	v0 =	vld [tilespmem:$0x18200]  }
0x1f: {  	v1 =	vld [tilespmem:$0x18210]  }
0x20: {  	v2 =	vld [tilespmem:$0x18220]  }
0x21: {  	v3 =	vld [tilespmem:$0x18230];
	_ =	sdelay $0x1  }
0x22: {  	[tilespmem:$0x14C00] =	vst v0  }
0x23: {  	[tilespmem:$0x14C10] =	vst v1  }
0x24: {  	[tilespmem:$0x14C20] =	vst v2  }
0x25: {  	s30 =	simm.s32 $0x2000;
	[tilespmem:$0x14C30] =	vst v3  }
0x26: {  	[tilespmem:s30], [sflag:$0x1] =	stream.indirect.gather [hbm4b:s4+s17], $0x80, s3, s17, $0xb8;
	[tilespmem:$0x18280] =	vst v63  }
0x27: {  	s31 =	simm.s32 $0x6000;
	s28 =	simm.s32 $0x0  }
0x28: {  	[tilespmem:s31], [sflag:$0x1] =	stream.indirect.gather [hbm4b:s4+s19], $0x80, s6, s19, $0xb8;
	[tilespmem:$0x18280] =	vst v63  }
.LBB2_2:
0x29: {  	_ =	swait.ge [sflag:s21], $0x4000  }
0x2a: {  	[sflag:s21] =	ssyncset.done $0x0  }
0x2b: {  	[sflag:s21] =	ssyncadd.s32 $0xFFFFC000  }
0x2c: {  	_ =	swait.ge [sflag:s21], $0x2400  }
0x2d: {  	s29 =	sshllo.u32 s28, $0x1;
	[sflag:s21] =	ssyncset.done $0x0  }
0x2e: {  	s0 =	sshll.u32 s29, $0x7;
	[sflag:s21] =	ssyncadd.s32 $0xFFFFDC00  }
0x2f: {  	[tilespmem:s22], [sflag:$0x2] =	stream.indirect.gather [hbm4b:s4+s17], $0x80, s0, s17, $0xb8;
	[tilespmem:$0x18280] =	vst v63  }
0x30: {  	s1 =	simm.s32 $0x2200;
	s0 =	sadd.s32 $0x1000, s0  }
0x31: {  	[tilespmem:s23], [sflag:$0x2] =	stream.indirect.gather [hbm4b:s4+s19], $0x80, s0, s19, $0xb8;
	[tilespmem:$0x18280] =	vst v63  }
0x32: {  	v0 =	vld [tilespmem:s1+$0x180]  }
0x33: {  	s31 =	simm.s32 $0x15100;
	v1 =	vld [tilespmem:s1+$0xFFFFFE80]  }
0x34: {  	v2 =	vld [tilespmem:s31+$0xC0]  }
0x35: {  	v3 =	vld [tilespmem:s1+$0xFFFFFF00]  }
0x36: {  	v4 =	vld [tilespmem:s1+$0xFFFFFF80]  }
0x37: {  	v5 =	vld [tilespmem:s1+$0x0]  }
0x38: {  	v6 =	vld [tilespmem:s1+$0x80]  }
0x39: {  	v8 =	vld [tilespmem:s31+$0xFFFFFF00];
	v0 =	vmul.f32 $8.000000000e+00, v0  }
0x3a: {  	v9 =	vld [tilespmem:s31+$0xFFFFFF40]  }
0x3b: {  	v12 =	vld [tilespmem:s31+$0xFFFFFFC0];
	v0 =	vadd.f32 v2, v0  }
0x3c: {  	s30 =	simm.s32 $0xEA00;
	v2 =	vld [tilespmem:s1+$0xFFFFFE00]  }
0x3d: {  	v11 =	vld [tilespmem:s31+$0xFFFFFF80];
	v1 =	vmul.f32 $8.000000000e+00, v1;
	[tilespmem:s30+$0x180] =	vst v0  }
0x3e: {  	s0 =	simm.s32 $0x1C0;
	v0 =	vld [tilespmem:s1+$0x190]  }
0x3f: {  	v7 =	vld [tilespmem:s1+$0x100];
	s2 =	sor.u32 $0x50, s0;
	v4 =	vmul.f32 $8.000000000e+00, v4;
	v1 =	vadd.f32 v9, v1  }
0x40: {  	v3 =	vmul.f32 $8.000000000e+00, v3;
	v10 =	vld [tilespmem:s2+$0x15000]  }
0x41: {  	v9 =	vld [tilespmem:s31+$0x40];
	v4 =	vadd.f32 v12, v4;
	[tilespmem:s30+$0xFFFFFE80] =	vst v1;
	v2 =	vmul.f32 $8.000000000e+00, v2  }
0x42: {  	s11 =	simm.s32 $0xC0;
	v1 =	vadd.f32 v11, v3;
	v3 =	vmul.f32 $8.000000000e+00, v5;
	v5 =	vld [tilespmem:s1+$0xFFFFFE90]  }
0x43: {  	s8 =	sor.u32 $0x50, s11;
	[tilespmem:s30+$0xFFFFFF80] =	vst v4;
	v2 =	vadd.f32 v8, v2;
	v8 =	vld [tilespmem:s31+$0x0];
	v0 =	vmul.f32 $8.000000000e+00, v0  }
0x44: {  	v11 =	vld [tilespmem:s8+$0x15000]  }
0x45: {  	[tilespmem:s30+$0xFFFFFE00] =	vst v2;
	v2 =	vld [tilespmem:s31+$0x80];
	v0 =	vadd.f32 v10, v0  }
0x46: {  	[tilespmem:s30+$0xFFFFFF00] =	vst v1;
	v10 =	vld [tilespmem:s1+$0xFFFFFE10]  }
0x47: {  	[tilespmem:s30+$0x190] =	vst v0;
	v0 =	vmul.f32 $8.000000000e+00, v6;
	v6 =	vmul.f32 $8.000000000e+00, v7;
	v7 =	vld [tilespmem:s1+$0xFFFFFF10]  }
0x48: {  	v3 =	vadd.f32 v8, v3;
	v8 =	vld [tilespmem:s31+$0xFFFFFF10]  }
0x49: {  	s18 =	sor.u32 $0x60, s0;
	v1 =	vld [tilespmem:s1+$0x1A0]  }
0x4a: {  	v4 =	vld [tilespmem:s18+$0x15000]  }
0x4b: {  	v0 =	vadd.f32 v9, v0;
	v9 =	vld [tilespmem:s31+$0xFFFFFF90]  }
0x4c: {  	[tilespmem:s30+$0x0] =	vst v3;
	v2 =	vadd.f32 v2, v6;
	v3 =	vld [tilespmem:s1+$0xFFFFFF90]  }
0x4d: {  	v10 =	vmul.f32 $8.000000000e+00, v10;
	[tilespmem:s30+$0x80] =	vst v0;
	v0 =	vld [tilespmem:s1+$0x10]  }
0x4e: {  	[tilespmem:s30+$0x100] =	vst v2;
	v2 =	vld [tilespmem:s1+$0x90];
	v7 =	vmul.f32 $8.000000000e+00, v7  }
0x4f: {  	v6 =	vld [tilespmem:s1+$0x110];
	v8 =	vadd.f32 v8, v10;
	v1 =	vmul.f32 $8.000000000e+00, v1  }
0x50: {  	s20 =	simm.s32 $0x40;
	v10 =	vld [tilespmem:s31+$0x10];
	v7 =	vadd.f32 v9, v7  }
0x51: {  	s6 =	sor.u32 $0x50, s20;
	[tilespmem:s30+$0xFFFFFE10] =	vst v8;
	v8 =	vld [tilespmem:s31+$0x90];
	v1 =	vadd.f32 v4, v1  }
0x52: {  	v4 =	vld [tilespmem:s6+$0x15000];
	[tilespmem:s30+$0xFFFFFF10] =	vst v7  }
0x53: {  	v3 =	vmul.f32 $8.000000000e+00, v3;
	[tilespmem:s30+$0x1A0] =	vst v1;
	v9 =	vld [tilespmem:s1+$0xFFFFFF20]  }
0x54: {  	s9 =	sor.u32 $0x70, s0;
	v0 =	vmul.f32 $8.000000000e+00, v0;
	v1 =	vld [tilespmem:s1+$0x1B0]  }
0x55: {  	s13 =	simm.s32 $0x140;
	v5 =	vmul.f32 $8.000000000e+00, v5;
	v3 =	vadd.f32 v11, v3;
	v61 =	vld [tilespmem:s9+$0x15000]  }
0x56: {  	s10 =	sor.u32 $0x50, s13;
	v0 =	vadd.f32 v10, v0;
	v10 =	vld [tilespmem:s31+$0xFFFFFFA0]  }
0x57: {  	[tilespmem:s30+$0xFFFFFF90] =	vst v3;
	v4 =	vadd.f32 v4, v5;
	v5 =	vld [tilespmem:s10+$0x15000]  }
0x58: {  	s15 =	sor.u32 $0x60, s11;
	v3 =	vld [tilespmem:s1+$0xFFFFFFA0]  }
0x59: {  	v11 =	vld [tilespmem:s15+$0x15000]  }
0x5a: {  	v2 =	vmul.f32 $8.000000000e+00, v2;
	v6 =	vmul.f32 $8.000000000e+00, v6;
	[tilespmem:s30+$0xFFFFFE90] =	vst v4;
	v4 =	vld [tilespmem:s1+$0xFFFFFE20]  }
0x5b: {  	v7 =	vld [tilespmem:s1+$0xFFFFFEA0]  }
0x5c: {  	[tilespmem:s30+$0x10] =	vst v0;
	v0 =	vadd.f32 v8, v6;
	v2 =	vadd.f32 v5, v2;
	v5 =	vld [tilespmem:s31+$0xFFFFFF20]  }
0x5d: {  	s14 =	sor.u32 $0x60, s20;
	v6 =	vld [tilespmem:s1+$0x20]  }
0x5e: {  	[tilespmem:s30+$0x110] =	vst v0;
	v8 =	vld [tilespmem:s14+$0x15000]  }
0x5f: {  	v0 =	vld [tilespmem:s1+$0x120];
	[tilespmem:s30+$0x90] =	vst v2;
	v4 =	vmul.f32 $8.000000000e+00, v4  }
0x60: {  	s16 =	sor.u32 $0x60, s13;
	v3 =	vmul.f32 $8.000000000e+00, v3;
	v2 =	vld [tilespmem:s1+$0xA0]  }
0x61: {  	v7 =	vmul.f32 $8.000000000e+00, v7;
	v13 =	vld [tilespmem:s16+$0x15000];
	v4 =	vadd.f32 v5, v4  }
0x62: {  	v9 =	vmul.f32 $8.000000000e+00, v9;
	v3 =	vadd.f32 v11, v3;
	v5 =	vld [tilespmem:s31+$0x20]  }
0x63: {  	[tilespmem:s30+$0xFFFFFE20] =	vst v4;
	v4 =	vadd.f32 v8, v7;
	v7 =	vld [tilespmem:s31+$0xA0]  }
0x64: {  	[tilespmem:s30+$0xFFFFFFA0] =	vst v3;
	v8 =	vadd.f32 v10, v9;
	v9 =	vld [tilespmem:s1+$0xFFFFFE30]  }
0x65: {  	v6 =	vmul.f32 $8.000000000e+00, v6;
	[tilespmem:s30+$0xFFFFFEA0] =	vst v4;
	v4 =	vld [tilespmem:s31+$0xFFFFFF30]  }
0x66: {  	v2 =	vmul.f32 $8.000000000e+00, v2;
	[tilespmem:s30+$0xFFFFFF20] =	vst v8;
	v8 =	vld [tilespmem:s1+$0xFFFFFFB0]  }
0x67: {  	v0 =	vmul.f32 $8.000000000e+00, v0;
	v10 =	vld [tilespmem:s1+$0xFFFFFEB0];
	v5 =	vadd.f32 v5, v6  }
0x68: {  	s2 =	sor.u32 $0x70, s20;
	v6 =	vld [tilespmem:s1+$0xFFFFFF30];
	v2 =	vadd.f32 v13, v2  }
0x69: {  	v62 =	vld [tilespmem:s2+$0x15000];
	[tilespmem:s30+$0x20] =	vst v5;
	v0 =	vadd.f32 v7, v0  }
0x6a: {  	[tilespmem:s30+$0xA0] =	vst v2;
	v5 =	vld [tilespmem:s1+$0x30]  }
0x6b: {  	v2 =	vld [tilespmem:s1+$0xB0];
	[tilespmem:s30+$0x120] =	vst v0  }
0x6c: {  	v0 =	vmul.f32 $8.000000000e+00, v1;
	v11 =	vld [tilespmem:s1+$0x130]  }
0x6d: {  	s18 =	sor.u32 $0x70, s11;
	v3 =	vld [tilespmem:s31+$0xFFFFFFB0];
	v1 =	vmul.f32 $8.000000000e+00, v9  }
0x6e: {  	v9 =	vadd.f32 v61, v0;
	v0 =	vld [tilespmem:s18+$0x15000]  }
0x6f: {  	s20 =	sor.u32 $0x70, s13;
	v8 =	vmul.f32 $8.000000000e+00, v8;
	v10 =	vmul.f32 $8.000000000e+00, v10;
	v63 =	vadd.f32 v4, v1;
	v1 =	vld [tilespmem:s31+$0x30]  }
0x70: {  	v7 =	vmul.f32 $8.000000000e+00, v6;
	[tilespmem:s30+$0x1B0] =	vst v9;
	v4 =	vmul.f32 $8.000000000e+00, v5;
	v5 =	vld [tilespmem:s20+$0x15000]  }
0x71: {  	s11 =	simm.s32 $0x2600;
	s2 =	sshll.u32 s28, $0x1;
	s1 =	simm.s32 $0x0;
	v10 =	vadd.f32 v62, v10;
	[tilespmem:s30+$0xFFFFFE30] =	vst v63;
	v6 =	vmul.f32 $8.000000000e+00, v2;
	v9 =	vld [tilespmem:s31+$0xB0];
	v2 =	vmul.f32 $8.000000000e+00, v11  }
.LBB2_3:
0x72: {  	v11 =	vld [tilespmem:s11+$0x180];
	s1 =	sadd.s32 $0x8, s1;
	v3 =	vadd.f32 v3, v7  }
0x73: {  	s31 =	sadd.s32 $0x200, s31;
	v7 =	vld [tilespmem:s11+$0xFFFFFE80];
	p0 =	slt.u32 s1, $0xC0;
	[tilespmem:s30+$0xFFFFFEB0] =	vst v10;
	v0 =	vadd.f32 v0, v8  }
0x74: {  	v8 =	vld [tilespmem:s31+$0xC0];
	[tilespmem:s30+$0xFFFFFF30] =	vst v3;
	v1 =	vadd.f32 v1, v4  }
0x75: {  	v3 =	vld [tilespmem:s11+$0xFFFFFF00];
	[tilespmem:s30+$0xFFFFFFB0] =	vst v0;
	v0 =	vadd.f32 v5, v6  }
0x76: {  	v4 =	vld [tilespmem:s11+$0xFFFFFF80];
	[tilespmem:s30+$0x30] =	vst v1;
	v1 =	vadd.f32 v9, v2  }
0x77: {  	v2 =	vld [tilespmem:s11+$0x0];
	v5 =	vmul.f32 $8.000000000e+00, v11;
	[tilespmem:s30+$0xB0] =	vst v0  }
0x78: {  	v0 =	vmul.f32 $8.000000000e+00, v7;
	v6 =	vld [tilespmem:s11+$0x80];
	[tilespmem:s30+$0x130] =	vst v1  }
0x79: {  	v1 =	vld [tilespmem:s11+$0x100];
	v5 =	vadd.f32 v8, v5  }
0x7a: {  	s30 =	sadd.s32 $0x400, s30;
	v7 =	vld [tilespmem:s11+$0xFFFFFE00];
	v3 =	vmul.f32 $8.000000000e+00, v3  }
0x7b: {  	v8 =	vld [tilespmem:s31+$0xFFFFFF00];
	v4 =	vmul.f32 $8.000000000e+00, v4;
	[tilespmem:s30+$0x180] =	vst v5  }
0x7c: {  	s0 =	sadd.s32 $0x200, s0;
	v2 =	vmul.f32 $8.000000000e+00, v2;
	v5 =	vld [tilespmem:s11+$0x190]  }
0x7d: {  	s13 =	sadd.s32 $0xFFFFFE80, s0;
	s14 =	sadd.s32 $0xFFFFFF00, s0;
	s6 =	sor.u32 $0x50, s0;
	v9 =	vld [tilespmem:s31+$0xFFFFFF40];
	v6 =	vmul.f32 $8.000000000e+00, v6  }
0x7e: {  	s8 =	sadd.s32 $0xFFFFFF80, s0;
	s10 =	sor.u32 $0x50, s13;
	s9 =	sor.u32 $0x50, s14;
	v1 =	vmul.f32 $8.000000000e+00, v1;
	v10 =	vld [tilespmem:s6+$0x15000]  }
0x7f: {  	s16 =	sor.u32 $0x60, s13;
	s15 =	sor.u32 $0x60, s14;
	s6 =	sor.u32 $0x50, s8;
	v7 =	vmul.f32 $8.000000000e+00, v7;
	v11 =	vld [tilespmem:s31+$0xFFFFFF80]  }
0x80: {  	s20 =	sor.u32 $0x70, s13;
	s18 =	sor.u32 $0x70, s14;
	s14 =	sor.u32 $0x60, s8;
	v12 =	vld [tilespmem:s31+$0xFFFFFFC0]  }
0x81: {  	s13 =	sor.u32 $0x70, s8;
	v7 =	vadd.f32 v8, v7;
	v8 =	vld [tilespmem:s31+$0x0];
	v5 =	vmul.f32 $8.000000000e+00, v5  }
0x82: {  	v0 =	vadd.f32 v9, v0;
	v9 =	vld [tilespmem:s31+$0x40]  }
0x83: {  	[tilespmem:s30+$0xFFFFFE00] =	vst v7;
	v7 =	vld [tilespmem:s31+$0x80];
	v5 =	vadd.f32 v10, v5  }
0x84: {  	v10 =	vld [tilespmem:s11+$0xFFFFFE10];
	[tilespmem:s30+$0xFFFFFE80] =	vst v0;
	v0 =	vadd.f32 v11, v3  }
0x85: {  	v3 =	vld [tilespmem:s11+$0xFFFFFE90];
	v4 =	vadd.f32 v12, v4;
	[tilespmem:s30+$0x190] =	vst v5  }
0x86: {  	[tilespmem:s30+$0xFFFFFF00] =	vst v0;
	v0 =	vadd.f32 v8, v2;
	v2 =	vld [tilespmem:s11+$0x1A0]  }
0x87: {  	s8 =	sor.u32 $0x60, s0;
	v5 =	vld [tilespmem:s11+$0xFFFFFF10];
	[tilespmem:s30+$0xFFFFFF80] =	vst v4;
	v4 =	vadd.f32 v9, v6  }
0x88: {  	[tilespmem:s30+$0x0] =	vst v0;
	v0 =	vadd.f32 v7, v1;
	v1 =	vld [tilespmem:s8+$0x15000]  }
0x89: {  	v6 =	vmul.f32 $8.000000000e+00, v10;
	v7 =	vld [tilespmem:s11+$0xFFFFFF90];
	[tilespmem:s30+$0x80] =	vst v4  }
0x8a: {  	v3 =	vmul.f32 $8.000000000e+00, v3;
	v4 =	vld [tilespmem:s11+$0x10];
	[tilespmem:s30+$0x100] =	vst v0  }
0x8b: {  	v0 =	vld [tilespmem:s11+$0x90];
	v2 =	vmul.f32 $8.000000000e+00, v2  }
0x8c: {  	v5 =	vmul.f32 $8.000000000e+00, v5;
	v8 =	vld [tilespmem:s11+$0x110]  }
0x8d: {  	v9 =	vld [tilespmem:s31+$0xFFFFFF10];
	v1 =	vadd.f32 v1, v2  }
0x8e: {  	v2 =	vld [tilespmem:s10+$0x15000];
	v7 =	vmul.f32 $8.000000000e+00, v7  }
0x8f: {  	v10 =	vld [tilespmem:s31+$0xFFFFFF90];
	v4 =	vmul.f32 $8.000000000e+00, v4;
	[tilespmem:s30+$0x1A0] =	vst v1  }
0x90: {  	v0 =	vmul.f32 $8.000000000e+00, v0;
	v1 =	vld [tilespmem:s11+$0x1B0]  }
0x91: {  	s8 =	sor.u32 $0x70, s0;
	v11 =	vld [tilespmem:s9+$0x15000];
	v8 =	vmul.f32 $8.000000000e+00, v8  }
0x92: {  	v6 =	vadd.f32 v9, v6;
	v9 =	vld [tilespmem:s8+$0x15000]  }
0x93: {  	v2 =	vadd.f32 v2, v3;
	v3 =	vld [tilespmem:s31+$0x10]  }
0x94: {  	[tilespmem:s30+$0xFFFFFE10] =	vst v6;
	v5 =	vadd.f32 v10, v5;
	v6 =	vld [tilespmem:s6+$0x15000]  }
0x95: {  	[tilespmem:s30+$0xFFFFFE90] =	vst v2;
	v2 =	vld [tilespmem:s31+$0x90];
	v1 =	vmul.f32 $8.000000000e+00, v1  }
0x96: {  	v10 =	vld [tilespmem:s11+$0xFFFFFE20];
	[tilespmem:s30+$0xFFFFFF10] =	vst v5;
	v5 =	vadd.f32 v11, v7  }
0x97: {  	v7 =	vld [tilespmem:s11+$0xFFFFFEA0];
	v1 =	vadd.f32 v9, v1  }
0x98: {  	v9 =	vld [tilespmem:s11+$0xFFFFFF20];
	[tilespmem:s30+$0xFFFFFF90] =	vst v5;
	v3 =	vadd.f32 v3, v4  }
0x99: {  	v4 =	vld [tilespmem:s11+$0xFFFFFFA0];
	v0 =	vadd.f32 v6, v0;
	[tilespmem:s30+$0x1B0] =	vst v1  }
0x9a: {  	v1 =	vld [tilespmem:s31+$0xFFFFFF20];
	[tilespmem:s30+$0x10] =	vst v3;
	v2 =	vadd.f32 v2, v8  }
0x9b: {  	v3 =	vmul.f32 $8.000000000e+00, v10;
	v5 =	vld [tilespmem:s11+$0x20];
	[tilespmem:s30+$0x90] =	vst v0  }
0x9c: {  	v0 =	vmul.f32 $8.000000000e+00, v7;
	v6 =	vld [tilespmem:s11+$0xA0];
	[tilespmem:s30+$0x110] =	vst v2  }
0x9d: {  	v2 =	vmul.f32 $8.000000000e+00, v9;
	v7 =	vld [tilespmem:s11+$0x120]  }
0x9e: {  	v8 =	vld [tilespmem:s16+$0x15000];
	v4 =	vmul.f32 $8.000000000e+00, v4  }
0x9f: {  	v1 =	vadd.f32 v1, v3;
	v3 =	vld [tilespmem:s31+$0xFFFFFFA0]  }
0xa0: {  	v9 =	vld [tilespmem:s15+$0x15000];
	v5 =	vmul.f32 $8.000000000e+00, v5  }
0xa1: {  	[tilespmem:s30+$0xFFFFFE20] =	vst v1;
	v1 =	vld [tilespmem:s31+$0x20];
	v6 =	vmul.f32 $8.000000000e+00, v6  }
0xa2: {  	v10 =	vld [tilespmem:s14+$0x15000];
	v7 =	vmul.f32 $8.000000000e+00, v7  }
0xa3: {  	v0 =	vadd.f32 v8, v0;
	v8 =	vld [tilespmem:s31+$0xA0]  }
0xa4: {  	v11 =	vld [tilespmem:s11+$0xFFFFFE30];
	v2 =	vadd.f32 v3, v2  }
0xa5: {  	v3 =	vld [tilespmem:s31+$0xFFFFFF30];
	[tilespmem:s30+$0xFFFFFEA0] =	vst v0;
	v0 =	vadd.f32 v9, v4  }
0xa6: {  	v4 =	vld [tilespmem:s11+$0xFFFFFEB0];
	[tilespmem:s30+$0xFFFFFF20] =	vst v2;
	v1 =	vadd.f32 v1, v5  }
0xa7: {  	v2 =	vld [tilespmem:s11+$0xFFFFFF30];
	[tilespmem:s30+$0xFFFFFFA0] =	vst v0;
	v0 =	vadd.f32 v10, v6  }
0xa8: {  	v5 =	vld [tilespmem:s11+$0xFFFFFFB0];
	[tilespmem:s30+$0x20] =	vst v1;
	v1 =	vadd.f32 v8, v7  }
0xa9: {  	v6 =	vmul.f32 $8.000000000e+00, v11;
	v9 =	vld [tilespmem:s11+$0x30];
	[tilespmem:s30+$0xA0] =	vst v0  }
0xaa: {  	v10 =	vld [tilespmem:s11+$0xB0];
	[tilespmem:s30+$0x120] =	vst v1  }
0xab: {  	v0 =	vadd.f32 v3, v6;
	v11 =	vmul.f32 $8.000000000e+00, v4;
	v12 =	vld [tilespmem:s11+$0x130]  }
0xac: {  	v13 =	vld [tilespmem:s20+$0x15000];
	v7 =	vmul.f32 $8.000000000e+00, v2  }
.Ltmp0:
0xad: {  	[tilespmem:s30+$0xFFFFFE30] =	vst v0;
	v3 =	vld [tilespmem:s31+$0xFFFFFFB0];
	v8 =	vmul.f32 $8.000000000e+00, v5;
	(pc) =	sbr.rel @p0 .LBB2_3-.Ltmp0, $4  }
0xae: {  	v0 =	vld [tilespmem:s18+$0x15000];
	v4 =	vmul.f32 $8.000000000e+00, v9  }
0xaf: {  	v1 =	vld [tilespmem:s31+$0x30];
	v6 =	vmul.f32 $8.000000000e+00, v10  }
0xb0: {  	v5 =	vld [tilespmem:s13+$0x15000];
	v2 =	vmul.f32 $8.000000000e+00, v12  }
0xb1: {  	s11 =	sadd.s32 $0x400, s11;
	v10 =	vadd.f32 v13, v11;
	v9 =	vld [tilespmem:s31+$0xB0]  }
0xb2: {  	v3 =	vadd.f32 v3, v7  }
0xb3: {  	[tilespmem:s30+$0xFFFFFEB0] =	vst v10;
	v0 =	vadd.f32 v0, v8  }
0xb4: {  	[tilespmem:s30+$0xFFFFFF30] =	vst v3;
	v1 =	vadd.f32 v1, v4  }
0xb5: {  	s0 =	sadd.s32 s5, s2;
	[tilespmem:s30+$0xFFFFFFB0] =	vst v0;
	v0 =	vadd.f32 v5, v6  }
0xb6: {  	s0 =	smul.u32 $0xD00, s0;
	[tilespmem:s30+$0x30] =	vst v1;
	v1 =	vadd.f32 v9, v2  }
0xb7: {  	[tilespmem:s30+$0xB0] =	vst v0  }
0xb8: {  	s0 =	sadd.s32 s7, s0;
	[tilespmem:s30+$0x130] =	vst v1  }
0xb9: {  	[hbm4b:s0+s3] =	stream.linear.scatter [tilespmem:s24], [sflag:$0x3], $0x6800, $0x38;
	[tilespmem:$0x18280] =	vst v63  }
0xba: {  	_ =	swait.ge [sflag:s12], $0x6800  }
0xbb: {  	[sflag:s12] =	ssyncset.done $0x0  }
0xbc: {  	[sflag:s12] =	ssyncadd.s32 $0xFFFF9800  }
0xbd: {  	_ =	swait.ge [sflag:s25], $0x4000  }
0xbe: {  	[sflag:s25] =	ssyncset.done $0x0  }
0xbf: {  	[sflag:s25] =	ssyncadd.s32 $0xFFFFC000  }
0xc0: {  	p0 =	seq.s32 s28, $0xF;
	_ =	swait.ge [sflag:s25], $0x2400  }
0xc1: {  	s2 =	simm.s32 @!p0 $0x80;
	s0 =	sshll.u32 @!p0 s28, $0x8;
	[sflag:s25] =	ssyncset.done $0x0  }
0xc2: {  	s6 =	simm.s32 @!p0 $0x2000;
	s1 =	sadd.s32 @!p0 $0x100, s0;
	[sflag:s25] =	ssyncadd.s32 $0xFFFFDC00  }
0xc3: {  	[tilespmem:s6], [sflag:$0x1] =	stream.indirect.gather @!p0 [hbm4b:s4+s2], $0x80, s1, s2, $0xb8;
	[tilespmem:$0x18280] =	vst v63  }
0xc4: {  	s0 =	sadd.s32 @!p0 $0x1100, s0;
	s1 =	simm.s32 @!p0 $0x48;
	s2 =	simm.s32 @!p0 $0x6000  }
0xc5: {  	[tilespmem:s2], [sflag:$0x1] =	stream.indirect.gather @!p0 [hbm4b:s4+s1], $0x80, s0, s1, $0xb8;
	[tilespmem:$0x18280] =	vst v63  }
0xc6: {  	s1 =	simm.s32 $0x8600  }
0xc7: {  	v0 =	vld [tilespmem:s1+$0x180]  }
0xc8: {  	s31 =	simm.s32 $0x15100;
	v1 =	vld [tilespmem:s1+$0xFFFFFE80]  }
0xc9: {  	v2 =	vld [tilespmem:s31+$0xC0]  }
0xca: {  	v3 =	vld [tilespmem:s1+$0xFFFFFF00]  }
0xcb: {  	v4 =	vld [tilespmem:s1+$0xFFFFFF80]  }
0xcc: {  	v5 =	vld [tilespmem:s1+$0x0]  }
0xcd: {  	v6 =	vld [tilespmem:s1+$0x80]  }
0xce: {  	v8 =	vld [tilespmem:s31+$0xFFFFFF00];
	v0 =	vmul.f32 $8.000000000e+00, v0  }
0xcf: {  	v9 =	vld [tilespmem:s31+$0xFFFFFF40]  }
0xd0: {  	v12 =	vld [tilespmem:s31+$0xFFFFFFC0];
	v0 =	vadd.f32 v2, v0  }
0xd1: {  	s30 =	simm.s32 $0xEA00;
	v2 =	vld [tilespmem:s1+$0xFFFFFE00]  }
0xd2: {  	v11 =	vld [tilespmem:s31+$0xFFFFFF80];
	v1 =	vmul.f32 $8.000000000e+00, v1;
	[tilespmem:s30+$0x180] =	vst v0  }
0xd3: {  	s0 =	simm.s32 $0x1C0;
	v0 =	vld [tilespmem:s1+$0x190]  }
0xd4: {  	v7 =	vld [tilespmem:s1+$0x100];
	s15 =	sor.u32 $0x50, s0;
	v4 =	vmul.f32 $8.000000000e+00, v4;
	v1 =	vadd.f32 v9, v1  }
0xd5: {  	v3 =	vmul.f32 $8.000000000e+00, v3;
	v10 =	vld [tilespmem:s15+$0x15000]  }
0xd6: {  	v9 =	vld [tilespmem:s31+$0x40];
	v4 =	vadd.f32 v12, v4;
	[tilespmem:s30+$0xFFFFFE80] =	vst v1;
	v2 =	vmul.f32 $8.000000000e+00, v2  }
0xd7: {  	s11 =	simm.s32 $0xC0;
	v1 =	vadd.f32 v11, v3;
	v3 =	vmul.f32 $8.000000000e+00, v5;
	v5 =	vld [tilespmem:s1+$0xFFFFFE90]  }
0xd8: {  	s8 =	sor.u32 $0x50, s11;
	[tilespmem:s30+$0xFFFFFF80] =	vst v4;
	v2 =	vadd.f32 v8, v2;
	v8 =	vld [tilespmem:s31+$0x0];
	v0 =	vmul.f32 $8.000000000e+00, v0  }
0xd9: {  	v11 =	vld [tilespmem:s8+$0x15000]  }
0xda: {  	[tilespmem:s30+$0xFFFFFE00] =	vst v2;
	v2 =	vld [tilespmem:s31+$0x80];
	v0 =	vadd.f32 v10, v0  }
0xdb: {  	[tilespmem:s30+$0xFFFFFF00] =	vst v1;
	v10 =	vld [tilespmem:s1+$0xFFFFFE10]  }
0xdc: {  	[tilespmem:s30+$0x190] =	vst v0;
	v0 =	vmul.f32 $8.000000000e+00, v6;
	v6 =	vmul.f32 $8.000000000e+00, v7;
	v7 =	vld [tilespmem:s1+$0xFFFFFF10]  }
0xdd: {  	v3 =	vadd.f32 v8, v3;
	v8 =	vld [tilespmem:s31+$0xFFFFFF10]  }
0xde: {  	s16 =	sor.u32 $0x60, s0;
	v1 =	vld [tilespmem:s1+$0x1A0]  }
0xdf: {  	v4 =	vld [tilespmem:s16+$0x15000]  }
0xe0: {  	v0 =	vadd.f32 v9, v0;
	v9 =	vld [tilespmem:s31+$0xFFFFFF90]  }
0xe1: {  	[tilespmem:s30+$0x0] =	vst v3;
	v2 =	vadd.f32 v2, v6;
	v3 =	vld [tilespmem:s1+$0xFFFFFF90]  }
0xe2: {  	v10 =	vmul.f32 $8.000000000e+00, v10;
	[tilespmem:s30+$0x80] =	vst v0;
	v0 =	vld [tilespmem:s1+$0x10]  }
0xe3: {  	[tilespmem:s30+$0x100] =	vst v2;
	v2 =	vld [tilespmem:s1+$0x90];
	v7 =	vmul.f32 $8.000000000e+00, v7  }
0xe4: {  	v6 =	vld [tilespmem:s1+$0x110];
	v8 =	vadd.f32 v8, v10;
	v1 =	vmul.f32 $8.000000000e+00, v1  }
0xe5: {  	s18 =	simm.s32 $0x40;
	v10 =	vld [tilespmem:s31+$0x10];
	v7 =	vadd.f32 v9, v7  }
0xe6: {  	s20 =	sor.u32 $0x50, s18;
	[tilespmem:s30+$0xFFFFFE10] =	vst v8;
	v8 =	vld [tilespmem:s31+$0x90];
	v1 =	vadd.f32 v4, v1  }
0xe7: {  	v4 =	vld [tilespmem:s20+$0x15000];
	[tilespmem:s30+$0xFFFFFF10] =	vst v7  }
0xe8: {  	v3 =	vmul.f32 $8.000000000e+00, v3;
	[tilespmem:s30+$0x1A0] =	vst v1;
	v9 =	vld [tilespmem:s1+$0xFFFFFF20]  }
0xe9: {  	s9 =	sor.u32 $0x70, s0;
	v0 =	vmul.f32 $8.000000000e+00, v0;
	v1 =	vld [tilespmem:s1+$0x1B0]  }
0xea: {  	s13 =	simm.s32 $0x140;
	v5 =	vmul.f32 $8.000000000e+00, v5;
	v3 =	vadd.f32 v11, v3;
	v62 =	vld [tilespmem:s9+$0x15000]  }
0xeb: {  	s10 =	sor.u32 $0x50, s13;
	v0 =	vadd.f32 v10, v0;
	v10 =	vld [tilespmem:s31+$0xFFFFFFA0]  }
0xec: {  	[tilespmem:s30+$0xFFFFFF90] =	vst v3;
	v4 =	vadd.f32 v4, v5;
	v5 =	vld [tilespmem:s10+$0x15000]  }
0xed: {  	s15 =	sor.u32 $0x60, s11;
	v3 =	vld [tilespmem:s1+$0xFFFFFFA0]  }
0xee: {  	v11 =	vld [tilespmem:s15+$0x15000]  }
0xef: {  	v2 =	vmul.f32 $8.000000000e+00, v2;
	v6 =	vmul.f32 $8.000000000e+00, v6;
	[tilespmem:s30+$0xFFFFFE90] =	vst v4;
	v4 =	vld [tilespmem:s1+$0xFFFFFE20]  }
0xf0: {  	v7 =	vld [tilespmem:s1+$0xFFFFFEA0]  }
0xf1: {  	[tilespmem:s30+$0x10] =	vst v0;
	v0 =	vadd.f32 v8, v6;
	v2 =	vadd.f32 v5, v2;
	v5 =	vld [tilespmem:s31+$0xFFFFFF20]  }
0xf2: {  	s14 =	sor.u32 $0x60, s18;
	v6 =	vld [tilespmem:s1+$0x20]  }
0xf3: {  	[tilespmem:s30+$0x110] =	vst v0;
	v8 =	vld [tilespmem:s14+$0x15000]  }
0xf4: {  	v0 =	vld [tilespmem:s1+$0x120];
	[tilespmem:s30+$0x90] =	vst v2;
	v4 =	vmul.f32 $8.000000000e+00, v4  }
0xf5: {  	s16 =	sor.u32 $0x60, s13;
	v3 =	vmul.f32 $8.000000000e+00, v3;
	v2 =	vld [tilespmem:s1+$0xA0]  }
0xf6: {  	v7 =	vmul.f32 $8.000000000e+00, v7;
	v13 =	vld [tilespmem:s16+$0x15000];
	v4 =	vadd.f32 v5, v4  }
0xf7: {  	v9 =	vmul.f32 $8.000000000e+00, v9;
	v3 =	vadd.f32 v11, v3;
	v5 =	vld [tilespmem:s31+$0x20]  }
0xf8: {  	[tilespmem:s30+$0xFFFFFE20] =	vst v4;
	v4 =	vadd.f32 v8, v7;
	v7 =	vld [tilespmem:s31+$0xA0]  }
0xf9: {  	[tilespmem:s30+$0xFFFFFFA0] =	vst v3;
	v8 =	vadd.f32 v10, v9;
	v9 =	vld [tilespmem:s1+$0xFFFFFE30]  }
0xfa: {  	v6 =	vmul.f32 $8.000000000e+00, v6;
	[tilespmem:s30+$0xFFFFFEA0] =	vst v4;
	v4 =	vld [tilespmem:s31+$0xFFFFFF30]  }
0xfb: {  	v2 =	vmul.f32 $8.000000000e+00, v2;
	[tilespmem:s30+$0xFFFFFF20] =	vst v8;
	v8 =	vld [tilespmem:s1+$0xFFFFFFB0]  }
0xfc: {  	v0 =	vmul.f32 $8.000000000e+00, v0;
	v10 =	vld [tilespmem:s1+$0xFFFFFEB0];
	v5 =	vadd.f32 v5, v6  }
0xfd: {  	s2 =	sor.u32 $0x70, s18;
	v6 =	vld [tilespmem:s1+$0xFFFFFF30];
	v2 =	vadd.f32 v13, v2  }
0xfe: {  	v14 =	vld [tilespmem:s2+$0x15000];
	[tilespmem:s30+$0x20] =	vst v5;
	v0 =	vadd.f32 v7, v0  }
0xff: {  	[tilespmem:s30+$0xA0] =	vst v2;
	v5 =	vld [tilespmem:s1+$0x30]  }
0x100: {  	v11 =	vld [tilespmem:s1+$0xB0];
	[tilespmem:s30+$0x120] =	vst v0  }
0x101: {  	v0 =	vmul.f32 $8.000000000e+00, v1;
	v63 =	vld [tilespmem:s1+$0x130]  }
0x102: {  	s18 =	sor.u32 $0x70, s11;
	v3 =	vld [tilespmem:s31+$0xFFFFFFB0];
	v1 =	vmul.f32 $8.000000000e+00, v9  }
0x103: {  	v9 =	vadd.f32 v62, v0;
	v0 =	vld [tilespmem:s18+$0x15000]  }
0x104: {  	s20 =	sor.u32 $0x70, s13;
	v2 =	vld [tilespmem:s31+$0x30];
	v8 =	vmul.f32 $8.000000000e+00, v8;
	v10 =	vmul.f32 $8.000000000e+00, v10;
	v1 =	vadd.f32 v4, v1  }
0x105: {  	v7 =	vmul.f32 $8.000000000e+00, v6;
	[tilespmem:s30+$0x1B0] =	vst v9;
	v4 =	vmul.f32 $8.000000000e+00, v5;
	v5 =	vld [tilespmem:s20+$0x15000]  }
0x106: {  	s2 =	simm.s32 $0x8A00;
	s1 =	simm.s32 $0x0;
	v10 =	vadd.f32 v14, v10;
	[tilespmem:s30+$0xFFFFFE30] =	vst v1;
	v6 =	vmul.f32 $8.000000000e+00, v11;
	v9 =	vld [tilespmem:s31+$0xB0];
	v1 =	vmul.f32 $8.000000000e+00, v63  }
.LBB2_5:
0x107: {  	v11 =	vld [tilespmem:s2+$0x180];
	s1 =	sadd.s32 $0x8, s1;
	v3 =	vadd.f32 v3, v7  }
0x108: {  	s31 =	sadd.s32 $0x200, s31;
	v7 =	vld [tilespmem:s2+$0xFFFFFE80];
	p0 =	slt.u32 s1, $0xC0;
	[tilespmem:s30+$0xFFFFFEB0] =	vst v10;
	v0 =	vadd.f32 v0, v8  }
0x109: {  	v8 =	vld [tilespmem:s31+$0xC0];
	[tilespmem:s30+$0xFFFFFF30] =	vst v3;
	v2 =	vadd.f32 v2, v4  }
0x10a: {  	v3 =	vld [tilespmem:s2+$0xFFFFFF00];
	[tilespmem:s30+$0xFFFFFFB0] =	vst v0;
	v0 =	vadd.f32 v5, v6  }
0x10b: {  	v4 =	vld [tilespmem:s2+$0xFFFFFF80];
	[tilespmem:s30+$0x30] =	vst v2;
	v1 =	vadd.f32 v9, v1  }
0x10c: {  	v2 =	vld [tilespmem:s2+$0x0];
	v5 =	vmul.f32 $8.000000000e+00, v11;
	[tilespmem:s30+$0xB0] =	vst v0  }
0x10d: {  	v0 =	vmul.f32 $8.000000000e+00, v7;
	v6 =	vld [tilespmem:s2+$0x80];
	[tilespmem:s30+$0x130] =	vst v1  }
0x10e: {  	v1 =	vld [tilespmem:s2+$0x100];
	v5 =	vadd.f32 v8, v5  }
0x10f: {  	s30 =	sadd.s32 $0x400, s30;
	v7 =	vld [tilespmem:s2+$0xFFFFFE00];
	v3 =	vmul.f32 $8.000000000e+00, v3  }
0x110: {  	v8 =	vld [tilespmem:s31+$0xFFFFFF00];
	v4 =	vmul.f32 $8.000000000e+00, v4;
	[tilespmem:s30+$0x180] =	vst v5  }
0x111: {  	s0 =	sadd.s32 $0x200, s0;
	v2 =	vmul.f32 $8.000000000e+00, v2;
	v5 =	vld [tilespmem:s2+$0x190]  }
0x112: {  	s8 =	sadd.s32 $0xFFFFFE80, s0;
	s11 =	sadd.s32 $0xFFFFFF00, s0;
	s6 =	sor.u32 $0x50, s0;
	v9 =	vld [tilespmem:s31+$0xFFFFFF40];
	v6 =	vmul.f32 $8.000000000e+00, v6  }
0x113: {  	s20 =	sadd.s32 $0xFFFFFF80, s0;
	s10 =	sor.u32 $0x50, s8;
	s9 =	sor.u32 $0x50, s11;
	v1 =	vmul.f32 $8.000000000e+00, v1;
	v10 =	vld [tilespmem:s6+$0x15000]  }
0x114: {  	s16 =	sor.u32 $0x60, s8;
	s15 =	sor.u32 $0x60, s11;
	s6 =	sor.u32 $0x50, s20;
	v7 =	vmul.f32 $8.000000000e+00, v7;
	v11 =	vld [tilespmem:s31+$0xFFFFFF80]  }
0x115: {  	s18 =	sor.u32 $0x70, s8;
	s13 =	sor.u32 $0x70, s11;
	s14 =	sor.u32 $0x60, s20;
	v12 =	vld [tilespmem:s31+$0xFFFFFFC0]  }
0x116: {  	s11 =	sor.u32 $0x70, s20;
	v7 =	vadd.f32 v8, v7;
	v8 =	vld [tilespmem:s31+$0x0];
	v5 =	vmul.f32 $8.000000000e+00, v5  }
0x117: {  	v0 =	vadd.f32 v9, v0;
	v9 =	vld [tilespmem:s31+$0x40]  }
0x118: {  	[tilespmem:s30+$0xFFFFFE00] =	vst v7;
	v7 =	vld [tilespmem:s31+$0x80];
	v5 =	vadd.f32 v10, v5  }
0x119: {  	v10 =	vld [tilespmem:s2+$0xFFFFFE10];
	[tilespmem:s30+$0xFFFFFE80] =	vst v0;
	v0 =	vadd.f32 v11, v3  }
0x11a: {  	v3 =	vld [tilespmem:s2+$0xFFFFFE90];
	v4 =	vadd.f32 v12, v4;
	[tilespmem:s30+$0x190] =	vst v5  }
0x11b: {  	[tilespmem:s30+$0xFFFFFF00] =	vst v0;
	v0 =	vadd.f32 v8, v2;
	v2 =	vld [tilespmem:s2+$0x1A0]  }
0x11c: {  	s8 =	sor.u32 $0x60, s0;
	v5 =	vld [tilespmem:s2+$0xFFFFFF10];
	[tilespmem:s30+$0xFFFFFF80] =	vst v4;
	v4 =	vadd.f32 v9, v6  }
0x11d: {  	[tilespmem:s30+$0x0] =	vst v0;
	v0 =	vadd.f32 v7, v1;
	v1 =	vld [tilespmem:s8+$0x15000]  }
0x11e: {  	v6 =	vmul.f32 $8.000000000e+00, v10;
	v7 =	vld [tilespmem:s2+$0xFFFFFF90];
	[tilespmem:s30+$0x80] =	vst v4  }
0x11f: {  	v3 =	vmul.f32 $8.000000000e+00, v3;
	v4 =	vld [tilespmem:s2+$0x10];
	[tilespmem:s30+$0x100] =	vst v0  }
0x120: {  	v0 =	vld [tilespmem:s2+$0x90];
	v2 =	vmul.f32 $8.000000000e+00, v2  }
0x121: {  	v5 =	vmul.f32 $8.000000000e+00, v5;
	v8 =	vld [tilespmem:s2+$0x110]  }
0x122: {  	v9 =	vld [tilespmem:s31+$0xFFFFFF10];
	v1 =	vadd.f32 v1, v2  }
0x123: {  	v2 =	vld [tilespmem:s10+$0x15000];
	v7 =	vmul.f32 $8.000000000e+00, v7  }
0x124: {  	v10 =	vld [tilespmem:s31+$0xFFFFFF90];
	v4 =	vmul.f32 $8.000000000e+00, v4;
	[tilespmem:s30+$0x1A0] =	vst v1  }
0x125: {  	v0 =	vmul.f32 $8.000000000e+00, v0;
	v1 =	vld [tilespmem:s2+$0x1B0]  }
0x126: {  	s8 =	sor.u32 $0x70, s0;
	v11 =	vld [tilespmem:s9+$0x15000];
	v8 =	vmul.f32 $8.000000000e+00, v8  }
0x127: {  	v6 =	vadd.f32 v9, v6;
	v9 =	vld [tilespmem:s8+$0x15000]  }
0x128: {  	v2 =	vadd.f32 v2, v3;
	v3 =	vld [tilespmem:s31+$0x10]  }
0x129: {  	[tilespmem:s30+$0xFFFFFE10] =	vst v6;
	v5 =	vadd.f32 v10, v5;
	v6 =	vld [tilespmem:s6+$0x15000]  }
0x12a: {  	[tilespmem:s30+$0xFFFFFE90] =	vst v2;
	v2 =	vld [tilespmem:s31+$0x90];
	v1 =	vmul.f32 $8.000000000e+00, v1  }
0x12b: {  	v10 =	vld [tilespmem:s2+$0xFFFFFE20];
	[tilespmem:s30+$0xFFFFFF10] =	vst v5;
	v5 =	vadd.f32 v11, v7  }
0x12c: {  	v7 =	vld [tilespmem:s2+$0xFFFFFEA0];
	v1 =	vadd.f32 v9, v1  }
0x12d: {  	v9 =	vld [tilespmem:s2+$0xFFFFFF20];
	[tilespmem:s30+$0xFFFFFF90] =	vst v5;
	v3 =	vadd.f32 v3, v4  }
0x12e: {  	v4 =	vld [tilespmem:s2+$0xFFFFFFA0];
	v0 =	vadd.f32 v6, v0;
	[tilespmem:s30+$0x1B0] =	vst v1  }
0x12f: {  	v1 =	vld [tilespmem:s31+$0xFFFFFF20];
	[tilespmem:s30+$0x10] =	vst v3;
	v2 =	vadd.f32 v2, v8  }
0x130: {  	v3 =	vmul.f32 $8.000000000e+00, v10;
	v5 =	vld [tilespmem:s2+$0x20];
	[tilespmem:s30+$0x90] =	vst v0  }
0x131: {  	v0 =	vmul.f32 $8.000000000e+00, v7;
	v6 =	vld [tilespmem:s2+$0xA0];
	[tilespmem:s30+$0x110] =	vst v2  }
0x132: {  	v2 =	vmul.f32 $8.000000000e+00, v9;
	v7 =	vld [tilespmem:s2+$0x120]  }
0x133: {  	v8 =	vld [tilespmem:s16+$0x15000];
	v4 =	vmul.f32 $8.000000000e+00, v4  }
0x134: {  	v1 =	vadd.f32 v1, v3;
	v3 =	vld [tilespmem:s31+$0xFFFFFFA0]  }
0x135: {  	v9 =	vld [tilespmem:s15+$0x15000];
	v5 =	vmul.f32 $8.000000000e+00, v5  }
0x136: {  	[tilespmem:s30+$0xFFFFFE20] =	vst v1;
	v1 =	vld [tilespmem:s31+$0x20];
	v6 =	vmul.f32 $8.000000000e+00, v6  }
0x137: {  	v10 =	vld [tilespmem:s14+$0x15000];
	v7 =	vmul.f32 $8.000000000e+00, v7  }
0x138: {  	v0 =	vadd.f32 v8, v0;
	v8 =	vld [tilespmem:s31+$0xA0]  }
0x139: {  	v11 =	vld [tilespmem:s2+$0xFFFFFE30];
	v2 =	vadd.f32 v3, v2  }
0x13a: {  	v3 =	vld [tilespmem:s31+$0xFFFFFF30];
	[tilespmem:s30+$0xFFFFFEA0] =	vst v0;
	v0 =	vadd.f32 v9, v4  }
0x13b: {  	v4 =	vld [tilespmem:s2+$0xFFFFFEB0];
	[tilespmem:s30+$0xFFFFFF20] =	vst v2;
	v1 =	vadd.f32 v1, v5  }
0x13c: {  	v2 =	vld [tilespmem:s2+$0xFFFFFF30];
	[tilespmem:s30+$0xFFFFFFA0] =	vst v0;
	v0 =	vadd.f32 v10, v6  }
0x13d: {  	v5 =	vld [tilespmem:s2+$0xFFFFFFB0];
	[tilespmem:s30+$0x20] =	vst v1;
	v1 =	vadd.f32 v8, v7  }
0x13e: {  	v6 =	vmul.f32 $8.000000000e+00, v11;
	v9 =	vld [tilespmem:s2+$0x30];
	[tilespmem:s30+$0xA0] =	vst v0  }
0x13f: {  	v10 =	vld [tilespmem:s2+$0xB0];
	[tilespmem:s30+$0x120] =	vst v1  }
0x140: {  	v0 =	vadd.f32 v3, v6;
	v11 =	vmul.f32 $8.000000000e+00, v4;
	v1 =	vld [tilespmem:s2+$0x130]  }
0x141: {  	v12 =	vld [tilespmem:s18+$0x15000];
	v7 =	vmul.f32 $8.000000000e+00, v2  }
.Ltmp1:
0x142: {  	[tilespmem:s30+$0xFFFFFE30] =	vst v0;
	v3 =	vld [tilespmem:s31+$0xFFFFFFB0];
	v8 =	vmul.f32 $8.000000000e+00, v5;
	(pc) =	sbr.rel @p0 .LBB2_5-.Ltmp1, $4  }
0x143: {  	v0 =	vld [tilespmem:s13+$0x15000];
	v4 =	vmul.f32 $8.000000000e+00, v9  }
0x144: {  	v2 =	vld [tilespmem:s31+$0x30];
	v6 =	vmul.f32 $8.000000000e+00, v10  }
0x145: {  	v5 =	vld [tilespmem:s11+$0x15000];
	v1 =	vmul.f32 $8.000000000e+00, v1  }
0x146: {  	s2 =	sadd.s32 $0x400, s2;
	v10 =	vadd.f32 v12, v11;
	v9 =	vld [tilespmem:s31+$0xB0]  }
0x147: {  	v3 =	vadd.f32 v3, v7  }
0x148: {  	[tilespmem:s30+$0xFFFFFEB0] =	vst v10;
	v0 =	vadd.f32 v0, v8  }
0x149: {  	[tilespmem:s30+$0xFFFFFF30] =	vst v3;
	v2 =	vadd.f32 v2, v4  }
0x14a: {  	s0 =	sadd.s32 s5, s29;
	[tilespmem:s30+$0xFFFFFFB0] =	vst v0;
	v63 =	vadd.f32 v5, v6  }
0x14b: {  	s28 =	sadd.s32 $0x1, s28;
	s0 =	smul.u32 $0xD00, s0;
	[tilespmem:s30+$0x30] =	vst v2;
	v1 =	vadd.f32 v9, v1  }
0x14c: {  	p0 =	sne.s32 s28, $0x10;
	[tilespmem:s30+$0xB0] =	vst v63  }
.Ltmp2:
0x14d: {  	s0 =	sadd.s32 s7, s0;
	[tilespmem:s30+$0x130] =	vst v1;
	(pc) =	sbr.rel @p0 .LBB2_2-.Ltmp2, $4  }
0x14e: {  	[hbm4b:s0+s3] =	stream.linear.scatter [tilespmem:s24], [sflag:$0x3], $0x6800, $0x38;
	[tilespmem:$0x18280] =	vst v63  }
0x14f: {  	_ =	swait.ge [sflag:s12], $0x6800  }
0x150: {  	[sflag:s12] =	ssyncset.done $0x0  }
0x151: {  	[sflag:s12] =	ssyncadd.s32 $0xFFFF9800  }
0x152: {  	s26 =	sadd.s32 $0x1, s26;
	s0 =	rddreg [dreg:$0x7]  }
0x153: {  	p0 =	sne.s32 s26, s0  }
.Ltmp3:
0x154: {  	_ = 	snop;
	(pc) =	sbr.rel @p0 .LBB2_1-.Ltmp3, $1  }
0x155: {  	_ =	sdelay $0x3  }
0x156: {  	_ =	sfence.sel $0x180000  }
0x157: {  	[bflag:$0x0] =	sbarrier.arrive $0xFFFF  }
0x158: {  	_ =	strace $0x90000047  }
0x159: {  	s0 =	stileid.u32;
	[bflag:$0x2] =	sbarrier.arrive $0xFFFF  }
0x15a: {  	p0 =	sne.s32 s0, $0x0;
	s0 =	rddreg [dreg:$0x3]  }
0x15b: {  	s0 =	sadd.s32 @!p0 $0x100000, s0  }
0x15c: {  	[sflag:s0] =	ssyncadd.tile.s32 @!p0 $0x1;
	_ =	shalt  }
.Lfunc_end2:
_tile_overlayer_lowered:
.L_overlay_start_2:
0x15d: {  	(tag) =	ssettag $0x2  }
0x15e: {  	s0 =	rddreg [dreg:$0x0];
	s2 =	stileid.u32  }
0x15f: {  	s1 =	rddreg [dreg:$0x1];
	p0 =	sne.s32 s2, $0x0  }
0x160: {  	s3 =	rddreg [dreg:$0x2];
	[bflag:$0x3] =	sbarrier.arrive $0xFFFF;
	s2 =	simm.s32 @!p0 $0x1C03  }
0x161: {  	[timem:s3], [sflag:s2] =	dma.local @!p0 [hbm:s0], s1  }
0x162: {  	s0 =	simm.s32 @!p0 $0x3  }
0x163: {  	_ =	swait.ge @!p0 [sflag:s0], s1  }
0x164: {  	s1 =	ssub.s32 @!p0 $0x0, s1;
	[sflag:s0] =	ssyncset.done @!p0 $0x0  }
0x165: {  	[sflag:s0] =	ssyncadd.s32 @!p0 s1  }
0x166: {  	[bflag:$0x3] =	sbarrier.arrive $0xFFFF  }
0x167: {  	_ =	shalt  }

// kernel: sparse-core-data-format-call.cloned.1.call-start
scs
called_computation_lowered:
.L_overlay_start_0:
0x0: {  	s2 =	sld [smem:$0x3FD9]  }
0x1: {  	s3 =	sld [smem:$0x3FFE];
	_ =	sdelay $0x1  }
0x2: {  	s1 =	srdreg.scid  }
0x3: {  	s0 =	sand.u32 $0x1, s1  }
0x4: {  	s15 =	sshll.u32 s0, $0xA;
	s2 =	sadd.s32 s3, s2  }
0x5: {  	s2 =	sadd.s32 s2, s15  }
0x6: {  	[smem:$0x3FC4] =	sst s2  }
0x7: {  	_ = 	snop  }
0x8: {  	s2 =	sld [smem:$0x3FD0];
	_ =	sdelay $0x2  }
0x9: {  	s16 =	simm.s32 $0xA;
	s4 =	simm.s32 $0x10  }
0xa: {  	[smem:s4], [sflag:s16] =	dma.local [hbm:s2], $0x1  }
0xb: {  	_ =	swait.eq [sflag:s16], $0x1  }
0xc: {  	[sflag:s16] =	ssyncset.done $0x0  }
0xd: {  	[sflag:s16] =	ssyncadd.s32 $0xFFFFFFFF  }
0xe: {  	s17 =	sld [smem:$0x10];
	(tm) =	ssettm $0x1  }
0xf: {  	s18 =	sld [smem:$0x3FFB];
	_ =	sdelay $0x3  }
0x10: {  	_ =	strace s18  }
0x11: {  	s3 =	sld [smem:$0x3FFC];
	_ =	sdelay $0x3  }
0x12: {  	_ =	strace s3  }
0x13: {  	s3 =	sld [smem:$0x3FFD];
	_ =	sdelay $0x3  }
0x14: {  	_ =	strace s3  }
0x15: {  	_ =	strace $0x8FFFFFFF  }
0x16: {  	s19 =	sld [smem:$0x3FDB];
	_ =	sdelay $0x1  }
0x17: {  	s20 =	simm.s32 $_scs_section_size  }
0x18: {  	s5 =	simm.s32 $_size__tile_overlayer_lowered;
	s6 =	simm.s32 $_tile_overlayer_lowered  }
0x19: {  	s23 =	simm.s32 $0x1BFF;
	s22 =	sshll.u32 s6, $0x1;
	s3 =	sadd.s32 s20, s19  }
0x1a: {  	s7 =	simm.s32 $0x0;
	s21 =	sshll.u32 s5, $0x1;
	s5 =	sadd.s32 s22, s3  }
0x1b: {  	[timem:s7], [sflag:s23] =	dma.local [hbm:s5], s21  }
0x1c: {  	_ =	swait.ge [sflag:s23], s21  }
0x1d: {  	s4 =	ssub.s32 $0x0, s21;
	[sflag:s23] =	ssyncset.done $0x0  }
0x1e: {  	[sflag:s23] =	ssyncadd.s32 s4;
	_ =	sdelay $0x1  }
0x1f: {  	s24 =	simm.s32 $0x1B8B  }
0x20: {  	_ =	swait.ge [sflag:s24], $0x1  }
0x21: {  	[sflag:s24] =	ssyncset.done $0x0  }
0x22: {  	s26 =	simm.s32 $0x1B8E;
	s25 =	sld [smem:$0x3FFE];
	[sflag:s24] =	ssyncadd.s32 $0xFFFFFFFF  }
0x23: {  	s27 =	simm.s32 $execute0_lowered;
	[smem:$0x3FD2] =	sst s26  }
0x24: {  	s5 =	sshll.u32 s27, $0x1;
	_ =	strace $0x80000049;
	[dreg:$0x1] =	wrdreg $0xFFFFFFFF  }
0x25: {  	s28 =	simm.s32 $_size_execute0_lowered;
	s3 =	sadd.s32 s3, s5;
	[dreg:$0x0] =	wrdreg $0x0  }
0x26: {  	s5 =	sshll.u32 s28, $0x1;
	[dreg:$0x2] =	wrdreg s3  }
0x27: {  	[dreg:$0x3] =	wrdreg s5  }
0x28: {  	[dreg:$0x4] =	wrdreg $0xC0  }
0x29: {  	_ =	task [dreg:s7], $0x5FFFF  }
0x2a: {  	[dreg:$0x1] =	wrdreg $0xFFFFFFFF  }
0x2b: {  	[dreg:$0x0] =	wrdreg $0x60  }
0x2c: {  	[dreg:$0x2] =	wrdreg s25  }
0x2d: {  	[dreg:$0x3] =	wrdreg s17  }
0x2e: {  	[dreg:$0x4] =	wrdreg $0x9  }
0x2f: {  	_ =	task.clear_ibuf [dreg:s7], $0x5FFFF;
	_ =	strace $0x90000049  }
0x30: {  	s29 =	simm.s32 $0x9;
	_ =	strace $0x8000004B  }
0x31: {  	_ =	swait.ge [sflag:s29], $0x1  }
0x32: {  	[sflag:s29] =	ssyncadd.s32 $0xFFFFFFFF  }
0x33: {  	_ =	strace $0x9000004B  }
0x34: {  	_ =	sfence  }
0x35: {  	s30 =	sld [smem:$0x0];
	_ =	sdelay $0x2  }
0x36: {  	s31 =	sshll.u32 s1, $0xD;
	s1 =	sshrl.u32 s1, $0x2  }
0x37: {  	s3 =	sand.u32 $0x4000, s31;
	s1 =	sadd.s32 s1, s30  }
0x38: {  	s0 =	sor.u32 s3, s0;
	s1 =	sshll.u32 s1, $0x11  }
0x39: {  	s0 =	sor.u32 s1, s0  }
0x3a: {  	s0 =	sadd.s32 $0x8F2B, s0  }
0x3b: {  	[sflag:s0] =	ssyncadd.remote.s32 $0x1  }
0x3c: {  	_ =	sfence.sel $0xFFFF  }
0x3d: {  	[dreg:$0x0] =	wrdreg $0xFFFFFFFF;
	(pc) =	sbr.abs _section_cstart, $3  }
0x3e: {  	[dreg:$0x1] =	wrdreg $0xFFFFFFFF  }
0x3f: {  	_ =	task.clear_ibuf [dreg:s7], $0x2FFFF;
	_ =	strace $0x9FFFFFFF  }
0x40: {  	(tm) =	ssettm $0x7FFFFFFF  }
0x41: {  	_ =	shalt  }
tec
execute0_lowered:
.L_overlay_start_1:
0x0: {  	(tag) =	ssettag $0x1  }
0x1: {  	s0 =	stileid.u32  }
0x2: {  	s7 =	rddreg [dreg:$0x0];
	s1 =	srdreg.scid  }
0x3: {  	s2 =	rddreg [dreg:$0x1];
	s31 =	simm.s32 $0x2;
	s13 =	simm.s32 $0x0  }
0x4: {  	s14 =	simm.s32 $0x0;
	s3 =	sshll.u32 s0, $0x7;
	s4 =	sshll.u32 s1, $0x4  }
0x5: {  	s12 =	simm.s32 $0x0;
	s3 =	sand.u32 $0x380, s3;
	s4 =	sand.u32 $0x10, s4  }
0x6: {  	s1 =	rddreg [dreg:$0x2];
	s5 =	ssub.s32 $0x400, s3;
	s4 =	sor.u32 s0, s4  }
0x7: {  	_ =	strace $0x8000004A;
	s6 =	sand.u32 $0x380, s5;
	s4 =	sshrl.u32 s4, $0x3  }
0x8: {  	s8 =	sshrl.u32 s5, $0xA;
	p0 =	sne.s32 s6, $0x0;
	s6 =	simm.s32 $0x1  }
.Ltmp0:
0x9: {  	s9 =	ssub.s32 $0xCC, s4;
	s6 =	simm.s32 @!p0 $0x0;
	(pc) =	sbr.rel .LBB1_1-.Ltmp0, $4  }
0xa: {  	s5 =	simm.s32 $0x1;
	s30 =	sshrl.u32 s9, $0x2;
	s6 =	sadd.s32 s6, s8  }
0xb: {  	s7 =	sadd.s32 $0x1000, s7;
	[sflag:s5] =	ssyncpa.u1 $0x0;
	s6 =	smul.u32 s30, s6  }
0xc: {  	s11 =	smov.u32 s3;
	s10 =	smov.u32 s4;
	[sflag:s31] =	ssyncpa.u1 $0x0  }
0xd: {  	p0 =	por $0x0, $0x0;
	s9 =	simm.s32 $0x2000;
	s8 =	sadd.s32 $0x1, s6  }
.LBB1_4:
0xe: {  	s17 =	sand.u32 $0x1F80, s14;
	s13 =	sshll.u32 s13, $0xD  }
0xf: {  	[tilespmem:s16+$0x810 ss:$0x81] =	vst.msk $0xffff, v2;
	s18 =	sshrl.u32 s14, $0x3;
	s31 =	sand.u32 $0x7, s14;
	s17 =	sadd.s32 s2, s17  }
0x10: {  	[tilespmem:s16+$0x1020 ss:$0x81] =	vst.msk $0xffff, v0;
	s18 =	sand.u32 $0xF, s18;
	s14 =	sshll.u32 s31, $0x12;
	s13 =	sadd.s32 s13, s17  }
0x11: {  	[tilespmem:s16+$0x0 ss:$0x81] =	vst.msk $0xffff, v1;
	s14 =	sor.u32 $0x400, s14;
	s13 =	sadd.s32 s18, s13  }
0x12: {  	[hbm4b:s13+s14] =	stream.strided.scatter [tilespmem:s15], [sflag:$0x2], $0x2000, s9, s14, $0x20;
	[tilespmem:$0x8080] =	vst v63  }
.LBB1_5:
0x13: {  	s15 =	sadd.s32 $0x4, s10  }
0x14: {  	s13 =	sadd.s32 $0x400, s11;
	s17 =	smov.u32 s11;
	p2 =	sgt.s32 s15, $0xC8  }
0x15: {  	s17 =	smov.u32 @p2 s13  }
0x16: {  	s15 =	smov.u32 @p2 s4;
	p2 =	sgt.s32 s17, $0x3FF  }
0x17: {  	s17 =	smov.u32 @p2 s3;
	p2 =	sne.s32 s12, s8  }
.Ltmp1:
0x18: {  	p1 =	slt.u32 s12, $0x2;
	(pc) =	sbr.rel @!p2 .LBB1_6-.Ltmp1, $4  }
0x19: {  	s16 =	simm.s32 @!p1 $0x2  }
0x1a: {  	s14 =	smov.u32 s11;
	p0 =	por !p0, !p0;
	_ =	swait.ge @!p1 [sflag:s16], $0x2000  }
0x1b: {  	s13 =	smov.u32 s10;
	[sflag:s16] =	ssyncset.done @!p1 $0x0;
	s10 =	smov.u32 s15  }
0x1c: {  	s12 =	sadd.s32 $0x1, s12;
	[sflag:s16] =	ssyncadd.s32 @!p1 $0xFFFFE000;
	s11 =	smov.u32 s17  }
.LBB1_1:
0x1d: {  	p1 =	sge.u32 s12, s6  }
0x1e: {  	s15 =	sand.u32 @!p1 $0x1FFFFFF, s10  }
0x1f: {  	s16 =	smulhi.u32 @!p1 $0x2762763, s15;
	_ =	sdelay $0x1  }
0x20: {  	s16 =	sshrl.u32 @!p1 s16, $0x1  }
0x21: {  	s16 =	smul.u32 @!p1 $0xD0, s16  }
0x22: {  	s17 =	sxor.u32 @!p1 $0xFFFFFFFF, s12;
	s18 =	smul.u32 @!p1 $0xD00, s11  }
0x23: {  	s31 =	sadd.s32 $0xFFFFFFFF, s12;
	s17 =	sshll.u32 @!p1 s17, $0xD;
	s15 =	ssub.s32 @!p1 s15, s16  }
0x24: {  	s16 =	sand.u32 @!p1 $0x2000, s17;
	s17 =	sadd.s32 @!p1 s7, s18;
	s15 =	sshll.u32 @!p1 s15, $0x4  }
0x25: {  	s18 =	simm.s32 @!p1 $0x6800;
	s15 =	sadd.s32 @!p1 s15, s17;
	s17 =	simm.s32 @!p1 $0x40  }
0x26: {  	[tilespmem:s16], [sflag:$0x1] =	stream.strided.gather @!p1 [hbm4b:s15+s17], $0x2000, s18, s17, $0x38;
	[tilespmem:$0x8080] =	vst v63  }
0x27: {  	p1 =	sge.u32 s31, s6  }
.Ltmp2:
0x28: {  	_ = 	snop;
	(pc) =	sbr.rel @p1 .LBB1_5-.Ltmp2, $1  }
0x29: {  	_ =	sdelay $0x3  }
0x2a: {  	s15 =	simm.s32 $0x1  }
0x2b: {  	_ =	swait.ge [sflag:s5], $0x2000;
	s15 =	simm.s32 @!p0 $0x0  }
0x2c: {  	[sflag:s5] =	ssyncset.done $0x0;
	s16 =	sshll.u32 s15, $0xD  }
0x2d: {  	[sflag:s5] =	ssyncadd.s32 $0xFFFFE000;
	s19 =	sor.u32 $0x20, s16  }
0x2e: {  	s15 =	smul.u32 $0x8100, s15;
	v3 =	vld [tilespmem:s19+$0x10]  }
0x2f: {  	s30 =	sand.u32 $0x1, s12;
	v2 =	vld [tilespmem:s19+$0xFFFFFFF0]  }
0x30: {  	s16 =	smul.u32 $0x8100, s30;
	s15 =	sshrl.u32 s15, $0x2;
	v0 =	vld [tilespmem:s19+$0x0]  }
0x31: {  	v1 =	vld [tilespmem:s19+$0xFFFFFFE0];
	s17 =	sor.u32 $0x4000, s15  }
0x32: {  	s31 =	sshrl.u32 s16, $0x2;
	s16 =	sadd.s32 $0x0, s17  }
0x33: {  	s18 =	simm.s32 $0x4;
	s19 =	sadd.s32 $0x40, s19;
	s15 =	sor.u32 $0x4000, s31;
	[tilespmem:s16+$0x1830 ss:$0x81] =	vst.msk $0xffff, v3  }
.LBB1_3:
0x34: {  	v3 =	vld [tilespmem:s19+$0x10];
	p1 =	sne.s32 s18, $0x1FC;
	[tilespmem:s16+$0x810 ss:$0x81] =	vst.msk $0xffff, v2;
	s20 =	smov.u32 s18;
	s18 =	sadd.s32 $0x4, s18  }
.Ltmp3:
0x35: {  	v2 =	vld [tilespmem:s19+$0xFFFFFFF0];
	[tilespmem:s16+$0x1020 ss:$0x81] =	vst.msk $0xffff, v0;
	(pc) =	sbr.rel @p1 .LBB1_3-.Ltmp3, $4  }
0x36: {  	v0 =	vld [tilespmem:s19+$0x0];
	[tilespmem:s16+$0x0 ss:$0x81] =	vst.msk $0xffff, v1  }
0x37: {  	s16 =	sshra.s32 s20, $0x2;
	v1 =	vld [tilespmem:s19+$0xFFFFFFE0]  }
0x38: {  	s16 =	sadd.s32 s16, s17  }
0x39: {  	s19 =	sadd.s32 $0x40, s19;
	[tilespmem:s16+$0x1830 ss:$0x81] =	vst.msk $0xffff, v3  }
.Ltmp4:
0x3a: {  	_ = 	snop;
	(pc) =	sbr.rel .LBB1_4-.Ltmp4, $1  }
0x3b: {  	_ =	sdelay $0x3  }
.LBB1_6:
0x3c: {  	_ =	sfence.sel $0x180000  }
0x3d: {  	s2 =	simm.s32 $0x1;
	[bflag:$0x0] =	sbarrier.arrive $0xFFFF  }
0x3e: {  	s31 =	simm.s32 $0x2;
	[sflag:s2] =	ssyncpa.u1 $0x1  }
0x3f: {  	[sflag:s31] =	ssyncpa.u1 $0x1  }
0x40: {  	p0 =	sne.s32 s0, $0x0;
	_ =	strace $0x9000004A  }
0x41: {  	s0 =	sadd.s32 @!p0 $0x100000, s1;
	[bflag:$0x2] =	sbarrier.arrive $0xFFFF  }
0x42: {  	[sflag:s0] =	ssyncadd.tile.s32 @!p0 $0x1;
	_ =	shalt  }
.Lfunc_end1:
_tile_overlayer_lowered:
.L_overlay_start_2:
0x43: {  	(tag) =	ssettag $0x2  }
0x44: {  	s0 =	rddreg [dreg:$0x0];
	s2 =	stileid.u32  }
0x45: {  	s1 =	rddreg [dreg:$0x1];
	p0 =	sne.s32 s2, $0x0  }
0x46: {  	s3 =	rddreg [dreg:$0x2];
	[bflag:$0x3] =	sbarrier.arrive $0xFFFF;
	s2 =	simm.s32 @!p0 $0x1C01  }
0x47: {  	[timem:s3], [sflag:s2] =	dma.local @!p0 [hbm:s0], s1  }
0x48: {  	s0 =	simm.s32 @!p0 $0x1  }
0x49: {  	_ =	swait.ge @!p0 [sflag:s0], s1  }
0x4a: {  	s1 =	ssub.s32 @!p0 $0x0, s1;
	[sflag:s0] =	ssyncset.done @!p0 $0x0  }
0x4b: {  	[sflag:s0] =	ssyncadd.s32 @!p0 s1  }
0x4c: {  	[bflag:$0x3] =	sbarrier.arrive $0xFFFF  }
0x4d: {  	_ =	shalt  }

</sc_bundles>
